<compile_context>
chip_gen: v7x
topology: tpu7x:2x2x1
jax: 0.10.2.dev20260603
libtpu: 0.0.44.dev20260713+nightly
codegen_flags: <defaults>
</compile_context>

<pallas_src>
import functools

import jax
import jax.numpy as jnp
from jax import lax
from jax.experimental import pallas as pl
from jax.experimental.pallas import tpu as pltpu
from jax.experimental.pallas import tpu_sc as plsc

NC = 2
NS = 16
NW = NC * NS
L = 16
CH = 128


def _sc_mesh():
    return plsc.VectorSubcoreMesh(core_axis_name="c", subcore_axis_name="s")


def _make_deg_kernel(e_pad, ndeg):
    chunks_per_tile = e_pad // (NW * CH)
    rows_per_tile = ndeg // NS
    wave = 16
    assert chunks_per_tile % wave == 0

    @functools.partial(
        pl.kernel,
        out_type=jax.ShapeDtypeStruct((NC, ndeg), jnp.float32),
        mesh=_sc_mesh(),
        scratch_types=[
            pltpu.VMEM((chunks_per_tile, CH), jnp.int32),
            pltpu.VMEM((CH,), jnp.float32),
            pltpu.VMEM((rows_per_tile,), jnp.float32),
            pltpu.SemaphoreType.DMA,
            pltpu.VMEM_SHARED((ndeg,), jnp.float32),
        ],
    )
    def deg_kernel(col_hbm, deg_out, cb, ones, zbuf, sem, deg_sp):
        cidx = lax.axis_index("c")
        sidx = lax.axis_index("s")
        wid = sidx * NC + cidx

        def zinit(i, _):
            zbuf[pl.ds(i * L, L)] = jnp.zeros((L,), jnp.float32)
            return 0
        lax.fori_loop(0, rows_per_tile // L, zinit, 0)
        for k in range(CH // L):
            ones[pl.ds(k * L, L)] = jnp.full((L,), 1.0, jnp.float32)
        pltpu.sync_copy(zbuf, deg_sp.at[pl.ds(sidx * rows_per_tile, rows_per_tile)])
        pltpu.sync_copy(col_hbm.at[wid], cb)
        plsc.subcore_barrier()

        def body(w, _):
            for j in range(wave):
                pltpu.async_copy(ones, deg_sp.at[cb.at[w * wave + j]], sem,
                                 add=True)
            for j in range(wave):
                pltpu.make_async_copy(ones, deg_sp.at[cb.at[w * wave + j]],
                                      sem).wait()
            return 0
        lax.fori_loop(0, chunks_per_tile // wave, body, 0)

        plsc.subcore_barrier()
        pltpu.sync_copy(
            deg_sp.at[pl.ds(sidx * rows_per_tile, rows_per_tile)],
            deg_out.at[cidx, pl.ds(sidx * rows_per_tile, rows_per_tile)],
        )

    return deg_kernel


def _make_agg_kernel(e_pad, n_pad, d):
    chunks_per_tile = e_pad // (NW * CH)
    rows_per_tile = n_pad // NS
    npair = chunks_per_tile // 2
    half = chunks_per_tile // 2
    assert chunks_per_tile % 4 == 0

    @functools.partial(
        pl.kernel,
        out_type=jax.ShapeDtypeStruct((NC, n_pad, d), jnp.float32),
        mesh=_sc_mesh(),
        scratch_types=[
            pltpu.VMEM((chunks_per_tile, CH), jnp.int32),
            pltpu.VMEM((half, CH), jnp.int32),
            pltpu.VMEM((CH, d), jnp.float32),
            pltpu.VMEM((CH, d), jnp.float32),
            pltpu.SemaphoreType.DMA,
            pltpu.SemaphoreType.DMA,
            pltpu.VMEM_SHARED((n_pad, d), jnp.float32),
        ],
    )
    def agg_kernel(xp_hbm, row_hbm, col_hbm, p_out,
                   rb, cb, g0, g1, sem0, sem1, y_sp):
        cidx = lax.axis_index("c")
        sidx = lax.axis_index("s")
        wid = sidx * NC + cidx

        def zinit(t, _):
            r = t // (d // L)
            k = t % (d // L)
            g0[r, pl.ds(k * L, L)] = jnp.zeros((L,), jnp.float32)
            return 0
        lax.fori_loop(0, CH * (d // L), zinit, 0)

        base_row = sidx * rows_per_tile
        full = rows_per_tile // CH
        rem = rows_per_tile - full * CH
        for j in range(full):
            pltpu.sync_copy(g0, y_sp.at[pl.ds(base_row + j * CH, CH)])
        if rem:
            pltpu.sync_copy(g0.at[pl.ds(0, rem)],
                            y_sp.at[pl.ds(base_row + full * CH, rem)])

        pltpu.sync_copy(row_hbm.at[wid], rb)
        pltpu.sync_copy(col_hbm.at[wid, pl.ds(0, half)], cb)
        plsc.subcore_barrier()

        pltpu.async_copy(xp_hbm.at[rb.at[0]], g0, sem0)

        def pair(p, _):
            i0 = 2 * p

            @pl.when(p == npair // 2)
            def _():
                pltpu.sync_copy(col_hbm.at[wid, pl.ds(half, half)], cb)

            c0 = lax.rem(i0, half)
            pltpu.async_copy(xp_hbm.at[rb.at[i0 + 1]], g1, sem1)
            pltpu.make_async_copy(xp_hbm.at[rb.at[i0]], g0, sem0).wait()
            pltpu.sync_copy(g0, y_sp.at[cb.at[c0]], add=True)

            @pl.when(p < npair - 1)
            def _():
                pltpu.async_copy(xp_hbm.at[rb.at[i0 + 2]], g0, sem0)

            pltpu.make_async_copy(xp_hbm.at[rb.at[i0 + 1]], g1, sem1).wait()
            pltpu.sync_copy(g1, y_sp.at[cb.at[c0 + 1]], add=True)
            return 0
        lax.fori_loop(0, npair, pair, 0)

        plsc.subcore_barrier()
        pltpu.sync_copy(
            y_sp.at[pl.ds(base_row, rows_per_tile)],
            p_out.at[cidx, pl.ds(base_row, rows_per_tile)],
        )

    return agg_kernel


def _prep_body(degp_ref, x_ref, xp_ref, dinv_ref):
    p = degp_ref[...]
    deg = p[0] + p[1] + 1.0
    dinv = lax.rsqrt(deg)
    dinv_ref[...] = dinv
    xp_ref[...] = x_ref[...] * dinv


def _prep_call(degp3, x, blk):
    n, d = x.shape
    grid = n // blk
    return pl.pallas_call(
        _prep_body,
        grid=(grid,),
        in_specs=[
            pl.BlockSpec((NC, blk, 1), lambda i: (0, i, 0)),
            pl.BlockSpec((blk, d), lambda i: (i, 0)),
        ],
        out_specs=[
            pl.BlockSpec((blk, d), lambda i: (i, 0)),
            pl.BlockSpec((blk, 1), lambda i: (i, 0)),
        ],
        out_shape=[
            jax.ShapeDtypeStruct((n, d), jnp.float32),
            jax.ShapeDtypeStruct((n, 1), jnp.float32),
        ],
    )(degp3, x)


def _dense_body(p_ref, xp_ref, dinv_ref, wh_ref, bh_ref, wt_ref, bt_ref,
                wf_ref, bf_ref, wc_ref, bc_ref, out_ref):
    p = p_ref[...]
    y = dinv_ref[...] * (p[0] + p[1] + xp_ref[...])
    hh = jnp.maximum(jnp.dot(y, wh_ref[...], preferred_element_type=jnp.float32)
                     + bh_ref[...], 0.0)
    ht = jnp.maximum(jnp.dot(y, wt_ref[...], preferred_element_type=jnp.float32)
                     + bt_ref[...], 0.0)
    hf = 0.5 * hh + 0.5 * ht
    h = jnp.maximum(jnp.dot(hf, wf_ref[...], preferred_element_type=jnp.float32)
                    + bf_ref[...], 0.0)
    out_ref[...] = jnp.dot(h, wc_ref[...], preferred_element_type=jnp.float32) \
        + bc_ref[...]


def _dense_call(p, xp, dinv, wh, bh, wt, bt, wf, bf, wc_pad, bc_pad, blk):
    n, d = xp.shape
    hid = wh.shape[1]
    f = wf.shape[1]
    cpad = wc_pad.shape[1]
    grid = n // blk

    def full(shape):
        return pl.BlockSpec(shape, lambda i: tuple(0 for _ in shape))

    return pl.pallas_call(
        _dense_body,
        grid=(grid,),
        in_specs=[
            pl.BlockSpec((NC, blk, d), lambda i: (0, i, 0)),
            pl.BlockSpec((blk, d), lambda i: (i, 0)),
            pl.BlockSpec((blk, 1), lambda i: (i, 0)),
            full((d, hid)), full((1, hid)),
            full((d, hid)), full((1, hid)),
            full((hid, f)), full((1, f)),
            full((f, cpad)), full((1, cpad)),
        ],
        out_specs=pl.BlockSpec((blk, cpad), lambda i: (i, 0)),
        out_shape=jax.ShapeDtypeStruct((n, cpad), jnp.float32),
    )(p, xp, dinv, wh, bh, wt, bt, wf, bf, wc_pad, bc_pad)


def kernel(x, edge_index, h_node, W_homo, b_homo, W_hetero, b_hetero,
           W_fus, b_fus, W_cls, b_cls):
    del h_node
    n, d = x.shape
    e = edge_index.shape[1]

    n_pad = ((n + 1 + NS * 8 - 1) // (NS * 8)) * (NS * 8)
    ndeg = ((n + 1 + NS * L - 1) // (NS * L)) * (NS * L)
    q = NW * CH * 16
    e_pad = ((e + q - 1) // q) * q

    row = edge_index[0].astype(jnp.int32)
    col = edge_index[1].astype(jnp.int32)
    pad = jnp.full((e_pad - e,), n, jnp.int32)
    cpt = e_pad // (NW * CH)
    row_pad = jnp.concatenate([row, pad]).reshape(NW, cpt, CH)
    col_pad = jnp.concatenate([col, pad]).reshape(NW, cpt, CH)

    degp = _make_deg_kernel(e_pad, ndeg)(col_pad)
    degp3 = degp[:, :n].reshape(NC, n, 1)

    blk = 2000
    xprime, dinv = _prep_call(degp3, x, blk)

    xp_pad = jnp.pad(xprime, ((0, n_pad - n), (0, 0)))
    p = _make_agg_kernel(e_pad, n_pad, d)(xp_pad, row_pad, col_pad)

    bh = b_homo.reshape(1, -1)
    bt = b_hetero.reshape(1, -1)
    bf = b_fus.reshape(1, -1)
    ncls = W_cls.shape[1]
    wc_pad = jnp.pad(W_cls, ((0, 0), (0, 128 - ncls)))
    bc_pad = jnp.pad(b_cls.reshape(1, -1), ((0, 0), (0, 128 - ncls)))

    logits128 = _dense_call(p, xprime, dinv, W_homo, bh, W_hetero, bt,
                            W_fus, bf, wc_pad, bc_pad, blk)
    return logits128[:, :ncls]

# --- scband reference (transcript-rebuilt; emitter-appended) ---
"""Pipeline reference for scband-hmcen-no-het-gate-1855425872278 (READ-ONLY COPY).

The authoritative reference and input builder live on the scoring server;
editing this copy changes nothing except your own understanding.
"""

import jax, jax.numpy as jnp
import numpy as np


def gcn_conv(x, edge_index, W, b):
    # PyG GCNConv: add self-loops, symmetric normalization, linear-first then aggregate
    num_nodes = x.shape[0]
    xw = x @ W
    row = edge_index[0]
    col = edge_index[1]
    loop = jnp.arange(num_nodes, dtype=row.dtype)
    row = jnp.concatenate([row, loop])
    col = jnp.concatenate([col, loop])
    ones = jnp.ones(row.shape[0], dtype=xw.dtype)
    deg = jax.ops.segment_sum(ones, col, num_segments=num_nodes)
    deg_inv_sqrt = jnp.where(deg > 0, jax.lax.rsqrt(deg), 0.0)
    norm = deg_inv_sqrt[row] * deg_inv_sqrt[col]
    msgs = xw[row] * norm[:, None]
    out = jax.ops.segment_sum(msgs, col, num_segments=num_nodes)
    return out + b


def setup_inputs(seed: int = 0) -> dict:
    key = jax.random.key(seed)
    ks = jax.random.split(key, 12)
    N, d_feat, hidden = 10000, 128, 128
    E = 320000
    x = jax.random.normal(ks[0], (N, d_feat), dtype=jnp.float32)
    edge_index = jax.random.randint(ks[1], (2, E), 0, N, dtype=jnp.int64)
    h_node = jax.random.normal(ks[2], (N, hidden), dtype=jnp.float32)
    W_homo = jax.random.normal(ks[3], (d_feat, hidden), dtype=jnp.float32) * (1.0 / np.sqrt(d_feat))
    b_homo = jnp.zeros((hidden,), dtype=jnp.float32)
    W_hetero = jax.random.normal(ks[4], (d_feat, hidden), dtype=jnp.float32) * (1.0 / np.sqrt(d_feat))
    b_hetero = jnp.zeros((hidden,), dtype=jnp.float32)
    W_fus = jax.random.normal(ks[5], (hidden, 64), dtype=jnp.float32) * (1.0 / np.sqrt(hidden))
    b_fus = jax.random.normal(ks[6], (64,), dtype=jnp.float32) * 0.01
    W_cls = jax.random.normal(ks[7], (64, 2), dtype=jnp.float32) * (1.0 / np.sqrt(64))
    b_cls = jax.random.normal(ks[8], (2,), dtype=jnp.float32) * 0.01
    return {"x": x, "edge_index": edge_index, "h_node": h_node,
            "W_homo": W_homo, "b_homo": b_homo,
            "W_hetero": W_hetero, "b_hetero": b_hetero,
            "W_fus": W_fus, "b_fus": b_fus,
            "W_cls": W_cls, "b_cls": b_cls}


def reference(x, edge_index, h_node, W_homo, b_homo, W_hetero, b_hetero, W_fus, b_fus, W_cls, b_cls):
    h_homo = jax.nn.relu(gcn_conv(x, edge_index, W_homo, b_homo))
    h_hetero = jax.nn.relu(gcn_conv(x, edge_index, W_hetero, b_hetero))
    h_fused = 0.5 * h_homo + 0.5 * h_hetero
    h = jax.nn.relu(h_fused @ W_fus + b_fus)
    logits = h @ W_cls + b_cls
    return logits

if __name__ == "__main__":
    import jax
    _d = setup_inputs()
    print(jax.jit(kernel)(*tuple(_d.values())))

</pallas_src>

<mosaic_0001>
#map = affine_map<(d0, d1) -> (0, 0)>
#map1 = affine_map<(d0, d1) -> (0, 0, 0)>
module attributes {stable_mosaic.version = 14 : i64} {
  func.func @agg_kernel(%arg0: i32, %arg1: i32, %arg2: memref<10112x128xf32, #tpu.memory_space<hbm>>, %arg3: memref<32x80x128xi32, #tpu.memory_space<hbm>>, %arg4: memref<32x80x128xi32, #tpu.memory_space<hbm>>, %arg5: memref<2x10112x128xf32, #tpu.memory_space<hbm>>, %arg6: memref<80x128xi32, #tpu.memory_space<vmem>>, %arg7: memref<40x128xi32, #tpu.memory_space<vmem>>, %arg8: memref<128x128xf32, #tpu.memory_space<vmem>>, %arg9: memref<128x128xf32, #tpu.memory_space<vmem>>, %arg10: memref<!tpu.dma_semaphore, #tpu.memory_space<semaphore_mem>>, %arg11: memref<!tpu.dma_semaphore, #tpu.memory_space<semaphore_mem>>, %arg12: memref<10112x128xf32, #tpu.memory_space<vmem_shared>>) attributes {dimension_semantics = [#tpu.dimension_semantics<core_parallel>, #tpu.dimension_semantics<subcore_parallel>], iteration_bounds = array<i64: 2, 16>, scalar_prefetch = 0 : i64, scratch_operands = 7 : i64, tpu.core_type = #tpu.core_type<sc_vector_subcore>, window_params = [{transform_indices = #map}, {transform_indices = #map1}, {transform_indices = #map1}, {transform_indices = #map1}]} {
    %mul3A = arith.constant 2 : i32
    %mul3A_0 = arith.muli %arg1, %mul3A : i32
    %add3A = arith.addi %mul3A_0, %arg0 : i32
    %scan3A = arith.constant 0 : i32
    %scan3A_1 = arith.constant 0 : i32
    %scan3A_2 = arith.constant 1024 : i32
    %scan3A_3 = arith.addi %scan3A_1, %scan3A_2 : i32
    %scan3A_4 = arith.constant 1 : i32
    %scan3A_5 = scf.for %scan3A_33 = %scan3A_1 to %scan3A_3 step %scan3A_4 iter_args(%scan3A_34 = %scan3A) -> (i32)  : i32 {
      %jit3A = arith.constant 8 : i32
      %div3A = arith.divsi %scan3A_33, %jit3A : i32
      %sign3A = arith.constant 0 : i32
      %sign3A_35 = arith.cmpi sgt, %scan3A_33, %sign3A : i32
      %sign3A_36 = arith.extui %sign3A_35 : i1 to i32
      %sign3A_37 = arith.constant 0 : i32
      %sign3A_38 = arith.cmpi slt, %scan3A_33, %sign3A_37 : i32
      %sign3A_39 = arith.extui %sign3A_38 : i1 to i32
      %sign3A_40 = arith.subi %sign3A_36, %sign3A_39 : i32
      %sign3A_41 = arith.constant 0 : i32
      %sign3A_42 = arith.cmpi sgt, %jit3A, %sign3A_41 : i32
      %sign3A_43 = arith.extui %sign3A_42 : i1 to i32
      %sign3A_44 = arith.constant 0 : i32
      %sign3A_45 = arith.cmpi slt, %jit3A, %sign3A_44 : i32
      %sign3A_46 = arith.extui %sign3A_45 : i1 to i32
      %sign3A_47 = arith.subi %sign3A_43, %sign3A_46 : i32
      %ne3A = arith.cmpi ne, %sign3A_40, %sign3A_47 : i32
      %rem3A = arith.remsi %scan3A_33, %jit3A : i32
      %ne3A_48 = arith.constant 0 : i32
      %ne3A_49 = arith.cmpi ne, %rem3A, %ne3A_48 : i32
      %and3A = arith.andi %ne3A, %ne3A_49 : i1
      %sub3A = arith.constant 1 : i32
      %sub3A_50 = arith.subi %div3A, %sub3A : i32
      %select_n3A = arith.select %and3A, %sub3A_50, %div3A : i32
      %jit3A_51 = arith.constant 8 : i32
      %eq3A = arith.constant 0 : i32
      %eq3A_52 = arith.cmpi eq, %jit3A_51, %eq3A : i32
      %jit3A_53 = arith.constant 1 : i32
      %select_n3A_54 = arith.select %eq3A_52, %jit3A_53, %jit3A_51 : i32
      %rem3A_55 = arith.remsi %scan3A_33, %select_n3A_54 : i32
      %ne3A_56 = arith.constant 0 : i32
      %ne3A_57 = arith.cmpi ne, %rem3A_55, %ne3A_56 : i32
      %lt3A = arith.constant 0 : i32
      %lt3A_58 = arith.cmpi slt, %rem3A_55, %lt3A : i32
      %lt3A_59 = arith.constant 0 : i32
      %lt3A_60 = arith.cmpi slt, %select_n3A_54, %lt3A_59 : i32
      %ne3A_61 = arith.xori %lt3A_58, %lt3A_60 : i1
      %and3A_62 = arith.andi %ne3A_61, %ne3A_57 : i1
      %add3A_63 = arith.addi %rem3A_55, %select_n3A_54 : i32
      %select_n3A_64 = arith.select %and3A_62, %add3A_63, %rem3A_55 : i32
      %broadcast_in_dim3A = arith.constant 0.000000e+00 : f32
      %broadcast_in_dim3A_65 = vector.broadcast %broadcast_in_dim3A : f32 to vector<16xf32>
      %mul3A_66 = arith.constant 16 : i32
      %mul3A_67 = arith.muli %select_n3A_64, %mul3A_66 : i32
      %swap3A = arith.index_cast %select_n3A : i32 to index
      %swap3A_68 = arith.index_cast %mul3A_67 : i32 to index
      %swap3A_69 = tpu.vector_load %arg8[%swap3A, %swap3A_68] {strides = array<i32>} : memref<128x128xf32, #tpu.memory_space<vmem>>, vector<1x16xf32>,
      %swap3A_70 = vector.shape_cast %swap3A_69 : vector<1x16xf32> to vector<16xf32>
      %swap3A_71 = vector.shape_cast %broadcast_in_dim3A_65 : vector<16xf32> to vector<1x16xf32>
      tpu.vector_store %arg8[%swap3A, %swap3A_68], %swap3A_71 {strides = array<i32>} : memref<128x128xf32, #tpu.memory_space<vmem>>, vector<1x16xf32>,
      %scan3A_72 = arith.constant 0 : i32
      scf.yield %scan3A_72 : i32
    }
    %scan3A_6 = arith.constant 1024 : i32
    %mul3A_7 = arith.constant 632 : i32
    %mul3A_8 = arith.muli %arg1, %mul3A_7 : i32
    %add3A_9 = arith.constant 0 : i32
    %add3A_10 = arith.addi %mul3A_8, %add3A_9 : i32
    "tpu.region"() ({
      %run_scoped3A = tpu.sem_alloc : memref<!tpu.dma_semaphore, #tpu.memory_space<semaphore_mem>>
      %dma_start3A_33 = arith.constant 0 : i32
      %dma_start3A_34 = tpu.memref_slice %arg12[%add3A_10, %dma_start3A_33] : memref<10112x128xf32, #tpu.memory_space<vmem_shared>> -> memref<128x128xf32, #tpu.memory_space<vmem_shared>>
      %dma_start3A_35 = arith.constant 0 : i32
      %dma_start3A_36 = tpu.memref_slice %arg12[%add3A_10, %dma_start3A_35] : memref<10112x128xf32, #tpu.memory_space<vmem_shared>> -> memref<128x128xf32, #tpu.memory_space<vmem_shared>>
      tpu.enqueue_dma source(%arg8 : memref<128x128xf32, #tpu.memory_space<vmem>>) target(%dma_start3A_36 : memref<128x128xf32, #tpu.memory_space<vmem_shared>>) target_semaphore(%run_scoped3A : memref<!tpu.dma_semaphore, #tpu.memory_space<semaphore_mem>>)
      %dma_wait3A = arith.constant 0 : i32
      %dma_wait3A_37 = tpu.memref_slice %arg12[%add3A_10, %dma_wait3A] : memref<10112x128xf32, #tpu.memory_space<vmem_shared>> -> memref<128x128xf32, #tpu.memory_space<vmem_shared>>
      %dma_wait3A_38 = arith.constant 0 : i32
      %dma_wait3A_39 = tpu.memref_slice %arg12[%add3A_10, %dma_wait3A_38] : memref<10112x128xf32, #tpu.memory_space<vmem_shared>> -> memref<128x128xf32, #tpu.memory_space<vmem_shared>>
      tpu.wait_dma2 semaphore(%run_scoped3A : memref<!tpu.dma_semaphore, #tpu.memory_space<semaphore_mem>>) src(%arg8 : memref<128x128xf32, #tpu.memory_space<vmem>>) dst(%dma_wait3A_39 : memref<128x128xf32, #tpu.memory_space<vmem_shared>>)
      tpu.yield
    }) : () -> ()
    %add3A_11 = arith.constant 128 : i32
    %add3A_12 = arith.addi %mul3A_8, %add3A_11 : i32
    "tpu.region"() ({
      %run_scoped3A = tpu.sem_alloc : memref<!tpu.dma_semaphore, #tpu.memory_space<semaphore_mem>>
      %dma_start3A_33 = arith.constant 0 : i32
      %dma_start3A_34 = tpu.memref_slice %arg12[%add3A_12, %dma_start3A_33] : memref<10112x128xf32, #tpu.memory_space<vmem_shared>> -> memref<128x128xf32, #tpu.memory_space<vmem_shared>>
      %dma_start3A_35 = arith.constant 0 : i32
      %dma_start3A_36 = tpu.memref_slice %arg12[%add3A_12, %dma_start3A_35] : memref<10112x128xf32, #tpu.memory_space<vmem_shared>> -> memref<128x128xf32, #tpu.memory_space<vmem_shared>>
      tpu.enqueue_dma source(%arg8 : memref<128x128xf32, #tpu.memory_space<vmem>>) target(%dma_start3A_36 : memref<128x128xf32, #tpu.memory_space<vmem_shared>>) target_semaphore(%run_scoped3A : memref<!tpu.dma_semaphore, #tpu.memory_space<semaphore_mem>>)
      %dma_wait3A = arith.constant 0 : i32
      %dma_wait3A_37 = tpu.memref_slice %arg12[%add3A_12, %dma_wait3A] : memref<10112x128xf32, #tpu.memory_space<vmem_shared>> -> memref<128x128xf32, #tpu.memory_space<vmem_shared>>
      %dma_wait3A_38 = arith.constant 0 : i32
      %dma_wait3A_39 = tpu.memref_slice %arg12[%add3A_12, %dma_wait3A_38] : memref<10112x128xf32, #tpu.memory_space<vmem_shared>> -> memref<128x128xf32, #tpu.memory_space<vmem_shared>>
      tpu.wait_dma2 semaphore(%run_scoped3A : memref<!tpu.dma_semaphore, #tpu.memory_space<semaphore_mem>>) src(%arg8 : memref<128x128xf32, #tpu.memory_space<vmem>>) dst(%dma_wait3A_39 : memref<128x128xf32, #tpu.memory_space<vmem_shared>>)
      tpu.yield
    }) : () -> ()
    %add3A_13 = arith.constant 256 : i32
    %add3A_14 = arith.addi %mul3A_8, %add3A_13 : i32
    "tpu.region"() ({
      %run_scoped3A = tpu.sem_alloc : memref<!tpu.dma_semaphore, #tpu.memory_space<semaphore_mem>>
      %dma_start3A_33 = arith.constant 0 : i32
      %dma_start3A_34 = tpu.memref_slice %arg12[%add3A_14, %dma_start3A_33] : memref<10112x128xf32, #tpu.memory_space<vmem_shared>> -> memref<128x128xf32, #tpu.memory_space<vmem_shared>>
      %dma_start3A_35 = arith.constant 0 : i32
      %dma_start3A_36 = tpu.memref_slice %arg12[%add3A_14, %dma_start3A_35] : memref<10112x128xf32, #tpu.memory_space<vmem_shared>> -> memref<128x128xf32, #tpu.memory_space<vmem_shared>>
      tpu.enqueue_dma source(%arg8 : memref<128x128xf32, #tpu.memory_space<vmem>>) target(%dma_start3A_36 : memref<128x128xf32, #tpu.memory_space<vmem_shared>>) target_semaphore(%run_scoped3A : memref<!tpu.dma_semaphore, #tpu.memory_space<semaphore_mem>>)
      %dma_wait3A = arith.constant 0 : i32
      %dma_wait3A_37 = tpu.memref_slice %arg12[%add3A_14, %dma_wait3A] : memref<10112x128xf32, #tpu.memory_space<vmem_shared>> -> memref<128x128xf32, #tpu.memory_space<vmem_shared>>
      %dma_wait3A_38 = arith.constant 0 : i32
      %dma_wait3A_39 = tpu.memref_slice %arg12[%add3A_14, %dma_wait3A_38] : memref<10112x128xf32, #tpu.memory_space<vmem_shared>> -> memref<128x128xf32, #tpu.memory_space<vmem_shared>>
      tpu.wait_dma2 semaphore(%run_scoped3A : memref<!tpu.dma_semaphore, #tpu.memory_space<semaphore_mem>>) src(%arg8 : memref<128x128xf32, #tpu.memory_space<vmem>>) dst(%dma_wait3A_39 : memref<128x128xf32, #tpu.memory_space<vmem_shared>>)
      tpu.yield
    }) : () -> ()
    %add3A_15 = arith.constant 384 : i32
    %add3A_16 = arith.addi %mul3A_8, %add3A_15 : i32
    "tpu.region"() ({
      %run_scoped3A = tpu.sem_alloc : memref<!tpu.dma_semaphore, #tpu.memory_space<semaphore_mem>>
      %dma_start3A_33 = arith.constant 0 : i32
      %dma_start3A_34 = tpu.memref_slice %arg12[%add3A_16, %dma_start3A_33] : memref<10112x128xf32, #tpu.memory_space<vmem_shared>> -> memref<128x128xf32, #tpu.memory_space<vmem_shared>>
      %dma_start3A_35 = arith.constant 0 : i32
      %dma_start3A_36 = tpu.memref_slice %arg12[%add3A_16, %dma_start3A_35] : memref<10112x128xf32, #tpu.memory_space<vmem_shared>> -> memref<128x128xf32, #tpu.memory_space<vmem_shared>>
      tpu.enqueue_dma source(%arg8 : memref<128x128xf32, #tpu.memory_space<vmem>>) target(%dma_start3A_36 : memref<128x128xf32, #tpu.memory_space<vmem_shared>>) target_semaphore(%run_scoped3A : memref<!tpu.dma_semaphore, #tpu.memory_space<semaphore_mem>>)
      %dma_wait3A = arith.constant 0 : i32
      %dma_wait3A_37 = tpu.memref_slice %arg12[%add3A_16, %dma_wait3A] : memref<10112x128xf32, #tpu.memory_space<vmem_shared>> -> memref<128x128xf32, #tpu.memory_space<vmem_shared>>
      %dma_wait3A_38 = arith.constant 0 : i32
      %dma_wait3A_39 = tpu.memref_slice %arg12[%add3A_16, %dma_wait3A_38] : memref<10112x128xf32, #tpu.memory_space<vmem_shared>> -> memref<128x128xf32, #tpu.memory_space<vmem_shared>>
      tpu.wait_dma2 semaphore(%run_scoped3A : memref<!tpu.dma_semaphore, #tpu.memory_space<semaphore_mem>>) src(%arg8 : memref<128x128xf32, #tpu.memory_space<vmem>>) dst(%dma_wait3A_39 : memref<128x128xf32, #tpu.memory_space<vmem_shared>>)
      tpu.yield
    }) : () -> ()
    %add3A_17 = arith.constant 512 : i32
    %add3A_18 = arith.addi %mul3A_8, %add3A_17 : i32
    "tpu.region"() ({
      %run_scoped3A = tpu.sem_alloc : memref<!tpu.dma_semaphore, #tpu.memory_space<semaphore_mem>>
      %dma_start3A_33 = arith.constant 0 : i32
      %dma_start3A_34 = arith.constant 0 : i32
      %dma_start3A_35 = tpu.memref_slice %arg8[%dma_start3A_33, %dma_start3A_34] : memref<128x128xf32, #tpu.memory_space<vmem>> -> memref<120x128xf32, #tpu.memory_space<vmem>>
      %dma_start3A_36 = arith.constant 0 : i32
      %dma_start3A_37 = tpu.memref_slice %arg12[%add3A_18, %dma_start3A_36] : memref<10112x128xf32, #tpu.memory_space<vmem_shared>> -> memref<120x128xf32, #tpu.memory_space<vmem_shared>>
      %dma_start3A_38 = arith.constant 0 : i32
      %dma_start3A_39 = tpu.memref_slice %arg12[%add3A_18, %dma_start3A_38] : memref<10112x128xf32, #tpu.memory_space<vmem_shared>> -> memref<120x128xf32, #tpu.memory_space<vmem_shared>>
      %dma_start3A_40 = arith.constant 0 : i32
      %dma_start3A_41 = arith.constant 0 : i32
      %dma_start3A_42 = tpu.memref_slice %arg8[%dma_start3A_40, %dma_start3A_41] : memref<128x128xf32, #tpu.memory_space<vmem>> -> memref<120x128xf32, #tpu.memory_space<vmem>>
      tpu.enqueue_dma source(%dma_start3A_42 : memref<120x128xf32, #tpu.memory_space<vmem>>) target(%dma_start3A_39 : memref<120x128xf32, #tpu.memory_space<vmem_shared>>) target_semaphore(%run_scoped3A : memref<!tpu.dma_semaphore, #tpu.memory_space<semaphore_mem>>)
      %dma_wait3A = arith.constant 0 : i32
      %dma_wait3A_43 = arith.constant 0 : i32
      %dma_wait3A_44 = tpu.memref_slice %arg8[%dma_wait3A, %dma_wait3A_43] : memref<128x128xf32, #tpu.memory_space<vmem>> -> memref<120x128xf32, #tpu.memory_space<vmem>>
      %dma_wait3A_45 = arith.constant 0 : i32
      %dma_wait3A_46 = tpu.memref_slice %arg12[%add3A_18, %dma_wait3A_45] : memref<10112x128xf32, #tpu.memory_space<vmem_shared>> -> memref<120x128xf32, #tpu.memory_space<vmem_shared>>
      %dma_wait3A_47 = arith.constant 0 : i32
      %dma_wait3A_48 = tpu.memref_slice %arg12[%add3A_18, %dma_wait3A_47] : memref<10112x128xf32, #tpu.memory_space<vmem_shared>> -> memref<120x128xf32, #tpu.memory_space<vmem_shared>>
      %dma_wait3A_49 = arith.constant 0 : i32
      %dma_wait3A_50 = arith.constant 0 : i32
      %dma_wait3A_51 = tpu.memref_slice %arg8[%dma_wait3A_49, %dma_wait3A_50] : memref<128x128xf32, #tpu.memory_space<vmem>> -> memref<120x128xf32, #tpu.memory_space<vmem>>
      tpu.wait_dma2 semaphore(%run_scoped3A : memref<!tpu.dma_semaphore, #tpu.memory_space<semaphore_mem>>) src(%dma_wait3A_51 : memref<120x128xf32, #tpu.memory_space<vmem>>) dst(%dma_wait3A_48 : memref<120x128xf32, #tpu.memory_space<vmem_shared>>)
      tpu.yield
    }) : () -> ()
    "tpu.region"() ({
      %run_scoped3A = tpu.sem_alloc : memref<!tpu.dma_semaphore, #tpu.memory_space<semaphore_mem>>
      %dma_start3A_33 = arith.constant 0 : i32
      %dma_start3A_34 = arith.constant 0 : i32
      %dma_start3A_35 = tpu.memref_slice %arg3[%add3A, %dma_start3A_33, %dma_start3A_34] : memref<32x80x128xi32, #tpu.memory_space<hbm>> -> memref<1x80x128xi32, #tpu.memory_space<hbm>>
      %dma_start3A_36 = tpu.memref_squeeze %dma_start3A_35 : memref<1x80x128xi32, #tpu.memory_space<hbm>> -> memref<80x128xi32, #tpu.memory_space<hbm>>
      %dma_start3A_37 = arith.constant 0 : i32
      %dma_start3A_38 = arith.constant 0 : i32
      %dma_start3A_39 = tpu.memref_slice %arg3[%add3A, %dma_start3A_37, %dma_start3A_38] : memref<32x80x128xi32, #tpu.memory_space<hbm>> -> memref<1x80x128xi32, #tpu.memory_space<hbm>>
      %dma_start3A_40 = tpu.memref_squeeze %dma_start3A_39 : memref<1x80x128xi32, #tpu.memory_space<hbm>> -> memref<80x128xi32, #tpu.memory_space<hbm>>
      tpu.enqueue_dma source(%dma_start3A_40 : memref<80x128xi32, #tpu.memory_space<hbm>>) target(%arg6 : memref<80x128xi32, #tpu.memory_space<vmem>>) target_semaphore(%run_scoped3A : memref<!tpu.dma_semaphore, #tpu.memory_space<semaphore_mem>>)
      %dma_wait3A = arith.constant 0 : i32
      %dma_wait3A_41 = arith.constant 0 : i32
      %dma_wait3A_42 = tpu.memref_slice %arg3[%add3A, %dma_wait3A, %dma_wait3A_41] : memref<32x80x128xi32, #tpu.memory_space<hbm>> -> memref<1x80x128xi32, #tpu.memory_space<hbm>>
      %dma_wait3A_43 = tpu.memref_squeeze %dma_wait3A_42 : memref<1x80x128xi32, #tpu.memory_space<hbm>> -> memref<80x128xi32, #tpu.memory_space<hbm>>
      %dma_wait3A_44 = arith.constant 0 : i32
      %dma_wait3A_45 = arith.constant 0 : i32
      %dma_wait3A_46 = tpu.memref_slice %arg3[%add3A, %dma_wait3A_44, %dma_wait3A_45] : memref<32x80x128xi32, #tpu.memory_space<hbm>> -> memref<1x80x128xi32, #tpu.memory_space<hbm>>
      %dma_wait3A_47 = tpu.memref_squeeze %dma_wait3A_46 : memref<1x80x128xi32, #tpu.memory_space<hbm>> -> memref<80x128xi32, #tpu.memory_space<hbm>>
      tpu.wait_dma2 semaphore(%run_scoped3A : memref<!tpu.dma_semaphore, #tpu.memory_space<semaphore_mem>>) src(%dma_wait3A_47 : memref<80x128xi32, #tpu.memory_space<hbm>>) dst(%arg6 : memref<80x128xi32, #tpu.memory_space<vmem>>)
      tpu.yield
    }) : () -> ()
    "tpu.region"() ({
      %run_scoped3A = tpu.sem_alloc : memref<!tpu.dma_semaphore, #tpu.memory_space<semaphore_mem>>
      %dma_start3A_33 = arith.constant 0 : i32
      %dma_start3A_34 = arith.constant 0 : i32
      %dma_start3A_35 = tpu.memref_slice %arg4[%add3A, %dma_start3A_33, %dma_start3A_34] : memref<32x80x128xi32, #tpu.memory_space<hbm>> -> memref<1x40x128xi32, #tpu.memory_space<hbm>>
      %dma_start3A_36 = tpu.memref_squeeze %dma_start3A_35 : memref<1x40x128xi32, #tpu.memory_space<hbm>> -> memref<40x128xi32, #tpu.memory_space<hbm>>
      %dma_start3A_37 = arith.constant 0 : i32
      %dma_start3A_38 = arith.constant 0 : i32
      %dma_start3A_39 = tpu.memref_slice %arg4[%add3A, %dma_start3A_37, %dma_start3A_38] : memref<32x80x128xi32, #tpu.memory_space<hbm>> -> memref<1x40x128xi32, #tpu.memory_space<hbm>>
      %dma_start3A_40 = tpu.memref_squeeze %dma_start3A_39 : memref<1x40x128xi32, #tpu.memory_space<hbm>> -> memref<40x128xi32, #tpu.memory_space<hbm>>
      tpu.enqueue_dma source(%dma_start3A_40 : memref<40x128xi32, #tpu.memory_space<hbm>>) target(%arg7 : memref<40x128xi32, #tpu.memory_space<vmem>>) target_semaphore(%run_scoped3A : memref<!tpu.dma_semaphore, #tpu.memory_space<semaphore_mem>>)
      %dma_wait3A = arith.constant 0 : i32
      %dma_wait3A_41 = arith.constant 0 : i32
      %dma_wait3A_42 = tpu.memref_slice %arg4[%add3A, %dma_wait3A, %dma_wait3A_41] : memref<32x80x128xi32, #tpu.memory_space<hbm>> -> memref<1x40x128xi32, #tpu.memory_space<hbm>>
      %dma_wait3A_43 = tpu.memref_squeeze %dma_wait3A_42 : memref<1x40x128xi32, #tpu.memory_space<hbm>> -> memref<40x128xi32, #tpu.memory_space<hbm>>
      %dma_wait3A_44 = arith.constant 0 : i32
      %dma_wait3A_45 = arith.constant 0 : i32
      %dma_wait3A_46 = tpu.memref_slice %arg4[%add3A, %dma_wait3A_44, %dma_wait3A_45] : memref<32x80x128xi32, #tpu.memory_space<hbm>> -> memref<1x40x128xi32, #tpu.memory_space<hbm>>
      %dma_wait3A_47 = tpu.memref_squeeze %dma_wait3A_46 : memref<1x40x128xi32, #tpu.memory_space<hbm>> -> memref<40x128xi32, #tpu.memory_space<hbm>>
      tpu.wait_dma2 semaphore(%run_scoped3A : memref<!tpu.dma_semaphore, #tpu.memory_space<semaphore_mem>>) src(%dma_wait3A_47 : memref<40x128xi32, #tpu.memory_space<hbm>>) dst(%arg7 : memref<40x128xi32, #tpu.memory_space<vmem>>)
      tpu.yield
    }) : () -> ()
    %barrier3A = arith.constant 0 : index
    tpu.barrier barrier_id(%barrier3A)
    %dma_start3A = arith.constant 0 : i32
    %dma_start3A_19 = arith.constant 0 : i32
    %dma_start3A_20 = tpu.memref_slice %arg6[%dma_start3A, %dma_start3A_19] : memref<80x128xi32, #tpu.memory_space<vmem>> -> memref<1x128xi32, #tpu.memory_space<vmem>>
    %dma_start3A_21 = tpu.memref_squeeze %dma_start3A_20 : memref<1x128xi32, #tpu.memory_space<vmem>> -> memref<128xi32, #tpu.memory_space<vmem>>
    %dma_start3A_22 = arith.constant 0 : i32
    %dma_start3A_23 = arith.constant 0 : i32
    %dma_start3A_24 = tpu.memref_slice %arg2[%dma_start3A_22, %dma_start3A_23] : memref<10112x128xf32, #tpu.memory_space<hbm>> -> memref<10112x128xf32, #tpu.memory_space<hbm>>
    tpu.enqueue_indirect_dma source(%dma_start3A_24 : memref<10112x128xf32, #tpu.memory_space<hbm>>) target(%arg8 : memref<128x128xf32, #tpu.memory_space<vmem>>) offsets(%dma_start3A_21 : memref<128xi32, #tpu.memory_space<vmem>>) semaphore(%arg10 : memref<!tpu.dma_semaphore, #tpu.memory_space<semaphore_mem>>)
    %scan3A_25 = arith.constant 0 : i32
    %scan3A_26 = arith.constant 0 : i32
    %scan3A_27 = arith.constant 40 : i32
    %scan3A_28 = arith.addi %scan3A_26, %scan3A_27 : i32
    %scan3A_29 = arith.constant 1 : i32
    %scan3A_30 = scf.for %scan3A_33 = %scan3A_26 to %scan3A_28 step %scan3A_29 iter_args(%scan3A_34 = %scan3A_25) -> (i32)  : i32 {
      %mul3A_35 = arith.constant 2 : i32
      %mul3A_36 = arith.muli %mul3A_35, %scan3A_33 : i32
      %eq3A = arith.constant 20 : i32
      %eq3A_37 = arith.cmpi eq, %scan3A_33, %eq3A : i32
      %convert_element_type3A = arith.extui %eq3A_37 : i1 to i32
      %cond3A = arith.constant 0 : i32
      %cond3A_38 = arith.cmpi ne, %convert_element_type3A, %cond3A : i32
      scf.if %cond3A_38 {
        "tpu.region"() ({
          %run_scoped3A = tpu.sem_alloc : memref<!tpu.dma_semaphore, #tpu.memory_space<semaphore_mem>>
          %dma_start3A_68 = arith.constant 40 : i32
          %dma_start3A_69 = arith.constant 0 : i32
          %dma_start3A_70 = tpu.memref_slice %arg4[%add3A, %dma_start3A_68, %dma_start3A_69] : memref<32x80x128xi32, #tpu.memory_space<hbm>> -> memref<1x40x128xi32, #tpu.memory_space<hbm>>
          %dma_start3A_71 = tpu.memref_squeeze %dma_start3A_70 : memref<1x40x128xi32, #tpu.memory_space<hbm>> -> memref<40x128xi32, #tpu.memory_space<hbm>>
          %dma_start3A_72 = arith.constant 40 : i32
          %dma_start3A_73 = arith.constant 0 : i32
          %dma_start3A_74 = tpu.memref_slice %arg4[%add3A, %dma_start3A_72, %dma_start3A_73] : memref<32x80x128xi32, #tpu.memory_space<hbm>> -> memref<1x40x128xi32, #tpu.memory_space<hbm>>
          %dma_start3A_75 = tpu.memref_squeeze %dma_start3A_74 : memref<1x40x128xi32, #tpu.memory_space<hbm>> -> memref<40x128xi32, #tpu.memory_space<hbm>>
          tpu.enqueue_dma source(%dma_start3A_75 : memref<40x128xi32, #tpu.memory_space<hbm>>) target(%arg7 : memref<40x128xi32, #tpu.memory_space<vmem>>) target_semaphore(%run_scoped3A : memref<!tpu.dma_semaphore, #tpu.memory_space<semaphore_mem>>)
          %dma_wait3A_76 = arith.constant 40 : i32
          %dma_wait3A_77 = arith.constant 0 : i32
          %dma_wait3A_78 = tpu.memref_slice %arg4[%add3A, %dma_wait3A_76, %dma_wait3A_77] : memref<32x80x128xi32, #tpu.memory_space<hbm>> -> memref<1x40x128xi32, #tpu.memory_space<hbm>>
          %dma_wait3A_79 = tpu.memref_squeeze %dma_wait3A_78 : memref<1x40x128xi32, #tpu.memory_space<hbm>> -> memref<40x128xi32, #tpu.memory_space<hbm>>
          %dma_wait3A_80 = arith.constant 40 : i32
          %dma_wait3A_81 = arith.constant 0 : i32
          %dma_wait3A_82 = tpu.memref_slice %arg4[%add3A, %dma_wait3A_80, %dma_wait3A_81] : memref<32x80x128xi32, #tpu.memory_space<hbm>> -> memref<1x40x128xi32, #tpu.memory_space<hbm>>
          %dma_wait3A_83 = tpu.memref_squeeze %dma_wait3A_82 : memref<1x40x128xi32, #tpu.memory_space<hbm>> -> memref<40x128xi32, #tpu.memory_space<hbm>>
          tpu.wait_dma2 semaphore(%run_scoped3A : memref<!tpu.dma_semaphore, #tpu.memory_space<semaphore_mem>>) src(%dma_wait3A_83 : memref<40x128xi32, #tpu.memory_space<hbm>>) dst(%arg7 : memref<40x128xi32, #tpu.memory_space<vmem>>)
          tpu.yield
        }) : () -> ()
      } else {
      }
      %rem3A = arith.constant 40 : i32
      %rem3A_39 = arith.remsi %mul3A_36, %rem3A : i32
      %add3A_40 = arith.constant 1 : i32
      %add3A_41 = arith.addi %mul3A_36, %add3A_40 : i32
      %dma_start3A_42 = arith.constant 0 : i32
      %dma_start3A_43 = tpu.memref_slice %arg6[%add3A_41, %dma_start3A_42] : memref<80x128xi32, #tpu.memory_space<vmem>> -> memref<1x128xi32, #tpu.memory_space<vmem>>
      %dma_start3A_44 = tpu.memref_squeeze %dma_start3A_43 : memref<1x128xi32, #tpu.memory_space<vmem>> -> memref<128xi32, #tpu.memory_space<vmem>>
      %dma_start3A_45 = arith.constant 0 : i32
      %dma_start3A_46 = arith.constant 0 : i32
      %dma_start3A_47 = tpu.memref_slice %arg2[%dma_start3A_45, %dma_start3A_46] : memref<10112x128xf32, #tpu.memory_space<hbm>> -> memref<10112x128xf32, #tpu.memory_space<hbm>>
      tpu.enqueue_indirect_dma source(%dma_start3A_47 : memref<10112x128xf32, #tpu.memory_space<hbm>>) target(%arg9 : memref<128x128xf32, #tpu.memory_space<vmem>>) offsets(%dma_start3A_44 : memref<128xi32, #tpu.memory_space<vmem>>) semaphore(%arg11 : memref<!tpu.dma_semaphore, #tpu.memory_space<semaphore_mem>>)
      %dma_wait3A = arith.constant 0 : i32
      %dma_wait3A_48 = tpu.memref_slice %arg6[%mul3A_36, %dma_wait3A] : memref<80x128xi32, #tpu.memory_space<vmem>> -> memref<1x128xi32, #tpu.memory_space<vmem>>
      %dma_wait3A_49 = tpu.memref_squeeze %dma_wait3A_48 : memref<1x128xi32, #tpu.memory_space<vmem>> -> memref<128xi32, #tpu.memory_space<vmem>>
      %dma_wait3A_50 = arith.constant 0 : i32
      %dma_wait3A_51 = arith.constant 0 : i32
      %dma_wait3A_52 = tpu.memref_slice %arg2[%dma_wait3A_50, %dma_wait3A_51] : memref<10112x128xf32, #tpu.memory_space<hbm>> -> memref<10112x128xf32, #tpu.memory_space<hbm>>
      tpu.wait_indirect_dma semaphore(%arg10 : memref<!tpu.dma_semaphore, #tpu.memory_space<semaphore_mem>>) src(%dma_wait3A_52 : memref<10112x128xf32, #tpu.memory_space<hbm>>) dst(%arg8 : memref<128x128xf32, #tpu.memory_space<vmem>>)
      "tpu.region"() ({
        %run_scoped3A = tpu.sem_alloc : memref<!tpu.dma_semaphore, #tpu.memory_space<semaphore_mem>>
        %dma_start3A_68 = arith.constant 0 : i32
        %dma_start3A_69 = tpu.memref_slice %arg7[%rem3A_39, %dma_start3A_68] : memref<40x128xi32, #tpu.memory_space<vmem>> -> memref<1x128xi32, #tpu.memory_space<vmem>>
        %dma_start3A_70 = tpu.memref_squeeze %dma_start3A_69 : memref<1x128xi32, #tpu.memory_space<vmem>> -> memref<128xi32, #tpu.memory_space<vmem>>
        %dma_start3A_71 = arith.constant 0 : i32
        %dma_start3A_72 = arith.constant 0 : i32
        %dma_start3A_73 = tpu.memref_slice %arg12[%dma_start3A_71, %dma_start3A_72] : memref<10112x128xf32, #tpu.memory_space<vmem_shared>> -> memref<10112x128xf32, #tpu.memory_space<vmem_shared>>
        tpu.enqueue_indirect_dma source(%arg8 : memref<128x128xf32, #tpu.memory_space<vmem>>) target(%dma_start3A_73 : memref<10112x128xf32, #tpu.memory_space<vmem_shared>>) offsets(%dma_start3A_70 : memref<128xi32, #tpu.memory_space<vmem>>) semaphore(%run_scoped3A : memref<!tpu.dma_semaphore, #tpu.memory_space<semaphore_mem>>) {add = true}
        %dma_wait3A_74 = arith.constant 0 : i32
        %dma_wait3A_75 = tpu.memref_slice %arg7[%rem3A_39, %dma_wait3A_74] : memref<40x128xi32, #tpu.memory_space<vmem>> -> memref<1x128xi32, #tpu.memory_space<vmem>>
        %dma_wait3A_76 = tpu.memref_squeeze %dma_wait3A_75 : memref<1x128xi32, #tpu.memory_space<vmem>> -> memref<128xi32, #tpu.memory_space<vmem>>
        %dma_wait3A_77 = arith.constant 0 : i32
        %dma_wait3A_78 = arith.constant 0 : i32
        %dma_wait3A_79 = tpu.memref_slice %arg12[%dma_wait3A_77, %dma_wait3A_78] : memref<10112x128xf32, #tpu.memory_space<vmem_shared>> -> memref<10112x128xf32, #tpu.memory_space<vmem_shared>>
        tpu.wait_indirect_dma semaphore(%run_scoped3A : memref<!tpu.dma_semaphore, #tpu.memory_space<semaphore_mem>>) src(%arg8 : memref<128x128xf32, #tpu.memory_space<vmem>>) dst(%dma_wait3A_79 : memref<10112x128xf32, #tpu.memory_space<vmem_shared>>)
        tpu.yield
      }) : () -> ()
      %lt3A = arith.constant 39 : i32
      %lt3A_53 = arith.cmpi slt, %scan3A_33, %lt3A : i32
      %convert_element_type3A_54 = arith.extui %lt3A_53 : i1 to i32
      %cond3A_55 = arith.constant 0 : i32
      %cond3A_56 = arith.cmpi ne, %convert_element_type3A_54, %cond3A_55 : i32
      scf.if %cond3A_56 {
        %add3A_68 = arith.constant 2 : i32
        %add3A_69 = arith.addi %mul3A_36, %add3A_68 : i32
        %dma_start3A_70 = arith.constant 0 : i32
        %dma_start3A_71 = tpu.memref_slice %arg6[%add3A_69, %dma_start3A_70] : memref<80x128xi32, #tpu.memory_space<vmem>> -> memref<1x128xi32, #tpu.memory_space<vmem>>
        %dma_start3A_72 = tpu.memref_squeeze %dma_start3A_71 : memref<1x128xi32, #tpu.memory_space<vmem>> -> memref<128xi32, #tpu.memory_space<vmem>>
        %dma_start3A_73 = arith.constant 0 : i32
        %dma_start3A_74 = arith.constant 0 : i32
        %dma_start3A_75 = tpu.memref_slice %arg2[%dma_start3A_73, %dma_start3A_74] : memref<10112x128xf32, #tpu.memory_space<hbm>> -> memref<10112x128xf32, #tpu.memory_space<hbm>>
        tpu.enqueue_indirect_dma source(%dma_start3A_75 : memref<10112x128xf32, #tpu.memory_space<hbm>>) target(%arg8 : memref<128x128xf32, #tpu.memory_space<vmem>>) offsets(%dma_start3A_72 : memref<128xi32, #tpu.memory_space<vmem>>) semaphore(%arg10 : memref<!tpu.dma_semaphore, #tpu.memory_space<semaphore_mem>>)
      } else {
      }
      %add3A_57 = arith.constant 1 : i32
      %add3A_58 = arith.addi %mul3A_36, %add3A_57 : i32
      %dma_wait3A_59 = arith.constant 0 : i32
      %dma_wait3A_60 = tpu.memref_slice %arg6[%add3A_58, %dma_wait3A_59] : memref<80x128xi32, #tpu.memory_space<vmem>> -> memref<1x128xi32, #tpu.memory_space<vmem>>
      %dma_wait3A_61 = tpu.memref_squeeze %dma_wait3A_60 : memref<1x128xi32, #tpu.memory_space<vmem>> -> memref<128xi32, #tpu.memory_space<vmem>>
      %dma_wait3A_62 = arith.constant 0 : i32
      %dma_wait3A_63 = arith.constant 0 : i32
      %dma_wait3A_64 = tpu.memref_slice %arg2[%dma_wait3A_62, %dma_wait3A_63] : memref<10112x128xf32, #tpu.memory_space<hbm>> -> memref<10112x128xf32, #tpu.memory_space<hbm>>
      tpu.wait_indirect_dma semaphore(%arg11 : memref<!tpu.dma_semaphore, #tpu.memory_space<semaphore_mem>>) src(%dma_wait3A_64 : memref<10112x128xf32, #tpu.memory_space<hbm>>) dst(%arg9 : memref<128x128xf32, #tpu.memory_space<vmem>>)
      %add3A_65 = arith.constant 1 : i32
      %add3A_66 = arith.addi %rem3A_39, %add3A_65 : i32
      "tpu.region"() ({
        %run_scoped3A = tpu.sem_alloc : memref<!tpu.dma_semaphore, #tpu.memory_space<semaphore_mem>>
        %dma_start3A_68 = arith.constant 0 : i32
        %dma_start3A_69 = tpu.memref_slice %arg7[%add3A_66, %dma_start3A_68] : memref<40x128xi32, #tpu.memory_space<vmem>> -> memref<1x128xi32, #tpu.memory_space<vmem>>
        %dma_start3A_70 = tpu.memref_squeeze %dma_start3A_69 : memref<1x128xi32, #tpu.memory_space<vmem>> -> memref<128xi32, #tpu.memory_space<vmem>>
        %dma_start3A_71 = arith.constant 0 : i32
        %dma_start3A_72 = arith.constant 0 : i32
        %dma_start3A_73 = tpu.memref_slice %arg12[%dma_start3A_71, %dma_start3A_72] : memref<10112x128xf32, #tpu.memory_space<vmem_shared>> -> memref<10112x128xf32, #tpu.memory_space<vmem_shared>>
        tpu.enqueue_indirect_dma source(%arg9 : memref<128x128xf32, #tpu.memory_space<vmem>>) target(%dma_start3A_73 : memref<10112x128xf32, #tpu.memory_space<vmem_shared>>) offsets(%dma_start3A_70 : memref<128xi32, #tpu.memory_space<vmem>>) semaphore(%run_scoped3A : memref<!tpu.dma_semaphore, #tpu.memory_space<semaphore_mem>>) {add = true}
        %dma_wait3A_74 = arith.constant 0 : i32
        %dma_wait3A_75 = tpu.memref_slice %arg7[%add3A_66, %dma_wait3A_74] : memref<40x128xi32, #tpu.memory_space<vmem>> -> memref<1x128xi32, #tpu.memory_space<vmem>>
        %dma_wait3A_76 = tpu.memref_squeeze %dma_wait3A_75 : memref<1x128xi32, #tpu.memory_space<vmem>> -> memref<128xi32, #tpu.memory_space<vmem>>
        %dma_wait3A_77 = arith.constant 0 : i32
        %dma_wait3A_78 = arith.constant 0 : i32
        %dma_wait3A_79 = tpu.memref_slice %arg12[%dma_wait3A_77, %dma_wait3A_78] : memref<10112x128xf32, #tpu.memory_space<vmem_shared>> -> memref<10112x128xf32, #tpu.memory_space<vmem_shared>>
        tpu.wait_indirect_dma semaphore(%run_scoped3A : memref<!tpu.dma_semaphore, #tpu.memory_space<semaphore_mem>>) src(%arg9 : memref<128x128xf32, #tpu.memory_space<vmem>>) dst(%dma_wait3A_79 : memref<10112x128xf32, #tpu.memory_space<vmem_shared>>)
        tpu.yield
      }) : () -> ()
      %scan3A_67 = arith.constant 0 : i32
      scf.yield %scan3A_67 : i32
    }
    %scan3A_31 = arith.constant 40 : i32
    %barrier3A_32 = arith.constant 0 : index
    tpu.barrier barrier_id(%barrier3A_32)
    "tpu.region"() ({
      %run_scoped3A = tpu.sem_alloc : memref<!tpu.dma_semaphore, #tpu.memory_space<semaphore_mem>>
      %dma_start3A_33 = arith.constant 0 : i32
      %dma_start3A_34 = tpu.memref_slice %arg5[%arg0, %mul3A_8, %dma_start3A_33] : memref<2x10112x128xf32, #tpu.memory_space<hbm>> -> memref<1x632x128xf32, #tpu.memory_space<hbm>>
      %dma_start3A_35 = tpu.memref_squeeze %dma_start3A_34 : memref<1x632x128xf32, #tpu.memory_space<hbm>> -> memref<632x128xf32, #tpu.memory_space<hbm>>
      %dma_start3A_36 = arith.constant 0 : i32
      %dma_start3A_37 = tpu.memref_slice %arg12[%mul3A_8, %dma_start3A_36] : memref<10112x128xf32, #tpu.memory_space<vmem_shared>> -> memref<632x128xf32, #tpu.memory_space<vmem_shared>>
      tpu.enqueue_dma source(%dma_start3A_37 : memref<632x128xf32, #tpu.memory_space<vmem_shared>>) target(%dma_start3A_35 : memref<632x128xf32, #tpu.memory_space<hbm>>) target_semaphore(%run_scoped3A : memref<!tpu.dma_semaphore, #tpu.memory_space<semaphore_mem>>)
      %dma_wait3A = arith.constant 0 : i32
      %dma_wait3A_38 = tpu.memref_slice %arg5[%arg0, %mul3A_8, %dma_wait3A] : memref<2x10112x128xf32, #tpu.memory_space<hbm>> -> memref<1x632x128xf32, #tpu.memory_space<hbm>>
      %dma_wait3A_39 = tpu.memref_squeeze %dma_wait3A_38 : memref<1x632x128xf32, #tpu.memory_space<hbm>> -> memref<632x128xf32, #tpu.memory_space<hbm>>
      %dma_wait3A_40 = arith.constant 0 : i32
      %dma_wait3A_41 = tpu.memref_slice %arg12[%mul3A_8, %dma_wait3A_40] : memref<10112x128xf32, #tpu.memory_space<vmem_shared>> -> memref<632x128xf32, #tpu.memory_space<vmem_shared>>
      tpu.wait_dma2 semaphore(%run_scoped3A : memref<!tpu.dma_semaphore, #tpu.memory_space<semaphore_mem>>) src(%dma_wait3A_41 : memref<632x128xf32, #tpu.memory_space<vmem_shared>>) dst(%dma_wait3A_39 : memref<632x128xf32, #tpu.memory_space<hbm>>)
      tpu.yield
    }) : () -> ()
    return
  }
}

#map = affine_map<(d0, d1) -> (0, 0, 0)>
#map1 = affine_map<(d0, d1) -> (0, 0)>
module attributes {stable_mosaic.version = 14 : i64} {
  func.func @deg_kernel(%arg0: i32, %arg1: i32, %arg2: memref<32x80x128xi32, #tpu.memory_space<hbm>>, %arg3: memref<2x10240xf32, #tpu.memory_space<hbm>>, %arg4: memref<80x128xi32, #tpu.memory_space<vmem>>, %arg5: memref<128xf32, #tpu.memory_space<vmem>>, %arg6: memref<640xf32, #tpu.memory_space<vmem>>, %arg7: memref<!tpu.dma_semaphore, #tpu.memory_space<semaphore_mem>>, %arg8: memref<10240xf32, #tpu.memory_space<vmem_shared>>) attributes {dimension_semantics = [#tpu.dimension_semantics<core_parallel>, #tpu.dimension_semantics<subcore_parallel>], iteration_bounds = array<i64: 2, 16>, scalar_prefetch = 0 : i64, scratch_operands = 5 : i64, tpu.core_type = #tpu.core_type<sc_vector_subcore>, window_params = [{transform_indices = #map}, {transform_indices = #map1}]} {
    %mul3A = arith.constant 2 : i32
    %mul3A_0 = arith.muli %arg1, %mul3A : i32
    %add3A = arith.addi %mul3A_0, %arg0 : i32
    %scan3A = arith.constant 0 : i32
    %scan3A_1 = arith.constant 0 : i32
    %scan3A_2 = arith.constant 40 : i32
    %scan3A_3 = arith.addi %scan3A_1, %scan3A_2 : i32
    %scan3A_4 = arith.constant 1 : i32
    %scan3A_5 = scf.for %scan3A_67 = %scan3A_1 to %scan3A_3 step %scan3A_4 iter_args(%scan3A_68 = %scan3A) -> (i32)  : i32 {
      %broadcast_in_dim3A_69 = arith.constant 0.000000e+00 : f32
      %broadcast_in_dim3A_70 = vector.broadcast %broadcast_in_dim3A_69 : f32 to vector<16xf32>
      %mul3A_71 = arith.constant 16 : i32
      %mul3A_72 = arith.muli %scan3A_67, %mul3A_71 : i32
      %swap3A_73 = arith.index_cast %mul3A_72 : i32 to index
      %swap3A_74 = tpu.vector_load %arg6[%swap3A_73] {strides = array<i32>} : memref<640xf32, #tpu.memory_space<vmem>>, vector<16xf32>,
      %swap3A_75 = vector.shape_cast %swap3A_74 : vector<16xf32> to vector<16xf32>
      %swap3A_76 = vector.shape_cast %broadcast_in_dim3A_70 : vector<16xf32> to vector<16xf32>
      tpu.vector_store %arg6[%swap3A_73], %swap3A_76 {strides = array<i32>} : memref<640xf32, #tpu.memory_space<vmem>>, vector<16xf32>,
      %scan3A_77 = arith.constant 0 : i32
      scf.yield %scan3A_77 : i32
    }
    %scan3A_6 = arith.constant 40 : i32
    %broadcast_in_dim3A = arith.constant 1.000000e+00 : f32
    %broadcast_in_dim3A_7 = vector.broadcast %broadcast_in_dim3A : f32 to vector<16xf32>
    %swap3A = arith.constant 0 : index
    %swap3A_8 = tpu.vector_load %arg5[%swap3A] {strides = array<i32>} : memref<128xf32, #tpu.memory_space<vmem>>, vector<16xf32>,
    %swap3A_9 = vector.shape_cast %swap3A_8 : vector<16xf32> to vector<16xf32>
    %swap3A_10 = vector.shape_cast %broadcast_in_dim3A_7 : vector<16xf32> to vector<16xf32>
    tpu.vector_store %arg5[%swap3A], %swap3A_10 {strides = array<i32>} : memref<128xf32, #tpu.memory_space<vmem>>, vector<16xf32>,
    %broadcast_in_dim3A_11 = arith.constant 1.000000e+00 : f32
    %broadcast_in_dim3A_12 = vector.broadcast %broadcast_in_dim3A_11 : f32 to vector<16xf32>
    %swap3A_13 = arith.constant 16 : index
    %swap3A_14 = tpu.vector_load %arg5[%swap3A_13] {strides = array<i32>} : memref<128xf32, #tpu.memory_space<vmem>>, vector<16xf32>,
    %swap3A_15 = vector.shape_cast %swap3A_14 : vector<16xf32> to vector<16xf32>
    %swap3A_16 = vector.shape_cast %broadcast_in_dim3A_12 : vector<16xf32> to vector<16xf32>
    tpu.vector_store %arg5[%swap3A_13], %swap3A_16 {strides = array<i32>} : memref<128xf32, #tpu.memory_space<vmem>>, vector<16xf32>,
    %broadcast_in_dim3A_17 = arith.constant 1.000000e+00 : f32
    %broadcast_in_dim3A_18 = vector.broadcast %broadcast_in_dim3A_17 : f32 to vector<16xf32>
    %swap3A_19 = arith.constant 32 : index
    %swap3A_20 = tpu.vector_load %arg5[%swap3A_19] {strides = array<i32>} : memref<128xf32, #tpu.memory_space<vmem>>, vector<16xf32>,
    %swap3A_21 = vector.shape_cast %swap3A_20 : vector<16xf32> to vector<16xf32>
    %swap3A_22 = vector.shape_cast %broadcast_in_dim3A_18 : vector<16xf32> to vector<16xf32>
    tpu.vector_store %arg5[%swap3A_19], %swap3A_22 {strides = array<i32>} : memref<128xf32, #tpu.memory_space<vmem>>, vector<16xf32>,
    %broadcast_in_dim3A_23 = arith.constant 1.000000e+00 : f32
    %broadcast_in_dim3A_24 = vector.broadcast %broadcast_in_dim3A_23 : f32 to vector<16xf32>
    %swap3A_25 = arith.constant 48 : index
    %swap3A_26 = tpu.vector_load %arg5[%swap3A_25] {strides = array<i32>} : memref<128xf32, #tpu.memory_space<vmem>>, vector<16xf32>,
    %swap3A_27 = vector.shape_cast %swap3A_26 : vector<16xf32> to vector<16xf32>
    %swap3A_28 = vector.shape_cast %broadcast_in_dim3A_24 : vector<16xf32> to vector<16xf32>
    tpu.vector_store %arg5[%swap3A_25], %swap3A_28 {strides = array<i32>} : memref<128xf32, #tpu.memory_space<vmem>>, vector<16xf32>,
    %broadcast_in_dim3A_29 = arith.constant 1.000000e+00 : f32
    %broadcast_in_dim3A_30 = vector.broadcast %broadcast_in_dim3A_29 : f32 to vector<16xf32>
    %swap3A_31 = arith.constant 64 : index
    %swap3A_32 = tpu.vector_load %arg5[%swap3A_31] {strides = array<i32>} : memref<128xf32, #tpu.memory_space<vmem>>, vector<16xf32>,
    %swap3A_33 = vector.shape_cast %swap3A_32 : vector<16xf32> to vector<16xf32>
    %swap3A_34 = vector.shape_cast %broadcast_in_dim3A_30 : vector<16xf32> to vector<16xf32>
    tpu.vector_store %arg5[%swap3A_31], %swap3A_34 {strides = array<i32>} : memref<128xf32, #tpu.memory_space<vmem>>, vector<16xf32>,
    %broadcast_in_dim3A_35 = arith.constant 1.000000e+00 : f32
    %broadcast_in_dim3A_36 = vector.broadcast %broadcast_in_dim3A_35 : f32 to vector<16xf32>
    %swap3A_37 = arith.constant 80 : index
    %swap3A_38 = tpu.vector_load %arg5[%swap3A_37] {strides = array<i32>} : memref<128xf32, #tpu.memory_space<vmem>>, vector<16xf32>,
    %swap3A_39 = vector.shape_cast %swap3A_38 : vector<16xf32> to vector<16xf32>
    %swap3A_40 = vector.shape_cast %broadcast_in_dim3A_36 : vector<16xf32> to vector<16xf32>
    tpu.vector_store %arg5[%swap3A_37], %swap3A_40 {strides = array<i32>} : memref<128xf32, #tpu.memory_space<vmem>>, vector<16xf32>,
    %broadcast_in_dim3A_41 = arith.constant 1.000000e+00 : f32
    %broadcast_in_dim3A_42 = vector.broadcast %broadcast_in_dim3A_41 : f32 to vector<16xf32>
    %swap3A_43 = arith.constant 96 : index
    %swap3A_44 = tpu.vector_load %arg5[%swap3A_43] {strides = array<i32>} : memref<128xf32, #tpu.memory_space<vmem>>, vector<16xf32>,
    %swap3A_45 = vector.shape_cast %swap3A_44 : vector<16xf32> to vector<16xf32>
    %swap3A_46 = vector.shape_cast %broadcast_in_dim3A_42 : vector<16xf32> to vector<16xf32>
    tpu.vector_store %arg5[%swap3A_43], %swap3A_46 {strides = array<i32>} : memref<128xf32, #tpu.memory_space<vmem>>, vector<16xf32>,
    %broadcast_in_dim3A_47 = arith.constant 1.000000e+00 : f32
    %broadcast_in_dim3A_48 = vector.broadcast %broadcast_in_dim3A_47 : f32 to vector<16xf32>
    %swap3A_49 = arith.constant 112 : index
    %swap3A_50 = tpu.vector_load %arg5[%swap3A_49] {strides = array<i32>} : memref<128xf32, #tpu.memory_space<vmem>>, vector<16xf32>,
    %swap3A_51 = vector.shape_cast %swap3A_50 : vector<16xf32> to vector<16xf32>
    %swap3A_52 = vector.shape_cast %broadcast_in_dim3A_48 : vector<16xf32> to vector<16xf32>
    tpu.vector_store %arg5[%swap3A_49], %swap3A_52 {strides = array<i32>} : memref<128xf32, #tpu.memory_space<vmem>>, vector<16xf32>,
    %mul3A_53 = arith.constant 640 : i32
    %mul3A_54 = arith.muli %arg1, %mul3A_53 : i32
    "tpu.region"() ({
      %run_scoped3A = tpu.sem_alloc : memref<!tpu.dma_semaphore, #tpu.memory_space<semaphore_mem>>
      %dma_start3A = tpu.memref_slice %arg8[%mul3A_54] : memref<10240xf32, #tpu.memory_space<vmem_shared>> -> memref<640xf32, #tpu.memory_space<vmem_shared>>
      %dma_start3A_67 = tpu.memref_slice %arg8[%mul3A_54] : memref<10240xf32, #tpu.memory_space<vmem_shared>> -> memref<640xf32, #tpu.memory_space<vmem_shared>>
      tpu.enqueue_dma source(%arg6 : memref<640xf32, #tpu.memory_space<vmem>>) target(%dma_start3A_67 : memref<640xf32, #tpu.memory_space<vmem_shared>>) target_semaphore(%run_scoped3A : memref<!tpu.dma_semaphore, #tpu.memory_space<semaphore_mem>>)
      %dma_wait3A = tpu.memref_slice %arg8[%mul3A_54] : memref<10240xf32, #tpu.memory_space<vmem_shared>> -> memref<640xf32, #tpu.memory_space<vmem_shared>>
      %dma_wait3A_68 = tpu.memref_slice %arg8[%mul3A_54] : memref<10240xf32, #tpu.memory_space<vmem_shared>> -> memref<640xf32, #tpu.memory_space<vmem_shared>>
      tpu.wait_dma2 semaphore(%run_scoped3A : memref<!tpu.dma_semaphore, #tpu.memory_space<semaphore_mem>>) src(%arg6 : memref<640xf32, #tpu.memory_space<vmem>>) dst(%dma_wait3A_68 : memref<640xf32, #tpu.memory_space<vmem_shared>>)
      tpu.yield
    }) : () -> ()
    "tpu.region"() ({
      %run_scoped3A = tpu.sem_alloc : memref<!tpu.dma_semaphore, #tpu.memory_space<semaphore_mem>>
      %dma_start3A = arith.constant 0 : i32
      %dma_start3A_67 = arith.constant 0 : i32
      %dma_start3A_68 = tpu.memref_slice %arg2[%add3A, %dma_start3A, %dma_start3A_67] : memref<32x80x128xi32, #tpu.memory_space<hbm>> -> memref<1x80x128xi32, #tpu.memory_space<hbm>>
      %dma_start3A_69 = tpu.memref_squeeze %dma_start3A_68 : memref<1x80x128xi32, #tpu.memory_space<hbm>> -> memref<80x128xi32, #tpu.memory_space<hbm>>
      %dma_start3A_70 = arith.constant 0 : i32
      %dma_start3A_71 = arith.constant 0 : i32
      %dma_start3A_72 = tpu.memref_slice %arg2[%add3A, %dma_start3A_70, %dma_start3A_71] : memref<32x80x128xi32, #tpu.memory_space<hbm>> -> memref<1x80x128xi32, #tpu.memory_space<hbm>>
      %dma_start3A_73 = tpu.memref_squeeze %dma_start3A_72 : memref<1x80x128xi32, #tpu.memory_space<hbm>> -> memref<80x128xi32, #tpu.memory_space<hbm>>
      tpu.enqueue_dma source(%dma_start3A_73 : memref<80x128xi32, #tpu.memory_space<hbm>>) target(%arg4 : memref<80x128xi32, #tpu.memory_space<vmem>>) target_semaphore(%run_scoped3A : memref<!tpu.dma_semaphore, #tpu.memory_space<semaphore_mem>>)
      %dma_wait3A = arith.constant 0 : i32
      %dma_wait3A_74 = arith.constant 0 : i32
      %dma_wait3A_75 = tpu.memref_slice %arg2[%add3A, %dma_wait3A, %dma_wait3A_74] : memref<32x80x128xi32, #tpu.memory_space<hbm>> -> memref<1x80x128xi32, #tpu.memory_space<hbm>>
      %dma_wait3A_76 = tpu.memref_squeeze %dma_wait3A_75 : memref<1x80x128xi32, #tpu.memory_space<hbm>> -> memref<80x128xi32, #tpu.memory_space<hbm>>
      %dma_wait3A_77 = arith.constant 0 : i32
      %dma_wait3A_78 = arith.constant 0 : i32
      %dma_wait3A_79 = tpu.memref_slice %arg2[%add3A, %dma_wait3A_77, %dma_wait3A_78] : memref<32x80x128xi32, #tpu.memory_space<hbm>> -> memref<1x80x128xi32, #tpu.memory_space<hbm>>
      %dma_wait3A_80 = tpu.memref_squeeze %dma_wait3A_79 : memref<1x80x128xi32, #tpu.memory_space<hbm>> -> memref<80x128xi32, #tpu.memory_space<hbm>>
      tpu.wait_dma2 semaphore(%run_scoped3A : memref<!tpu.dma_semaphore, #tpu.memory_space<semaphore_mem>>) src(%dma_wait3A_80 : memref<80x128xi32, #tpu.memory_space<hbm>>) dst(%arg4 : memref<80x128xi32, #tpu.memory_space<vmem>>)
      tpu.yield
    }) : () -> ()
    %barrier3A = arith.constant 0 : index
    tpu.barrier barrier_id(%barrier3A)
    %scan3A_55 = arith.constant 0 : i32
    %scan3A_56 = arith.constant 0 : i32
    %scan3A_57 = arith.constant 5 : i32
    %scan3A_58 = arith.addi %scan3A_56, %scan3A_57 : i32
    %scan3A_59 = arith.constant 1 : i32
    %scan3A_60 = scf.for %scan3A_67 = %scan3A_56 to %scan3A_58 step %scan3A_59 iter_args(%scan3A_68 = %scan3A_55) -> (i32)  : i32 {
      %mul3A_69 = arith.constant 16 : i32
      %mul3A_70 = arith.muli %scan3A_67, %mul3A_69 : i32
      %add3A_71 = arith.constant 0 : i32
      %add3A_72 = arith.addi %mul3A_70, %add3A_71 : i32
      %dma_start3A = arith.constant 0 : i32
      %dma_start3A_73 = tpu.memref_slice %arg4[%add3A_72, %dma_start3A] : memref<80x128xi32, #tpu.memory_space<vmem>> -> memref<1x128xi32, #tpu.memory_space<vmem>>
      %dma_start3A_74 = tpu.memref_squeeze %dma_start3A_73 : memref<1x128xi32, #tpu.memory_space<vmem>> -> memref<128xi32, #tpu.memory_space<vmem>>
      %dma_start3A_75 = arith.constant 0 : i32
      %dma_start3A_76 = tpu.memref_slice %arg8[%dma_start3A_75] : memref<10240xf32, #tpu.memory_space<vmem_shared>> -> memref<10240xf32, #tpu.memory_space<vmem_shared>>
      tpu.enqueue_indirect_dma source(%arg5 : memref<128xf32, #tpu.memory_space<vmem>>) target(%dma_start3A_76 : memref<10240xf32, #tpu.memory_space<vmem_shared>>) offsets(%dma_start3A_74 : memref<128xi32, #tpu.memory_space<vmem>>) semaphore(%arg7 : memref<!tpu.dma_semaphore, #tpu.memory_space<semaphore_mem>>) {add = true}
      %mul3A_77 = arith.constant 16 : i32
      %mul3A_78 = arith.muli %scan3A_67, %mul3A_77 : i32
      %add3A_79 = arith.constant 1 : i32
      %add3A_80 = arith.addi %mul3A_78, %add3A_79 : i32
      %dma_start3A_81 = arith.constant 0 : i32
      %dma_start3A_82 = tpu.memref_slice %arg4[%add3A_80, %dma_start3A_81] : memref<80x128xi32, #tpu.memory_space<vmem>> -> memref<1x128xi32, #tpu.memory_space<vmem>>
      %dma_start3A_83 = tpu.memref_squeeze %dma_start3A_82 : memref<1x128xi32, #tpu.memory_space<vmem>> -> memref<128xi32, #tpu.memory_space<vmem>>
      %dma_start3A_84 = arith.constant 0 : i32
      %dma_start3A_85 = tpu.memref_slice %arg8[%dma_start3A_84] : memref<10240xf32, #tpu.memory_space<vmem_shared>> -> memref<10240xf32, #tpu.memory_space<vmem_shared>>
      tpu.enqueue_indirect_dma source(%arg5 : memref<128xf32, #tpu.memory_space<vmem>>) target(%dma_start3A_85 : memref<10240xf32, #tpu.memory_space<vmem_shared>>) offsets(%dma_start3A_83 : memref<128xi32, #tpu.memory_space<vmem>>) semaphore(%arg7 : memref<!tpu.dma_semaphore, #tpu.memory_space<semaphore_mem>>) {add = true}
      %mul3A_86 = arith.constant 16 : i32
      %mul3A_87 = arith.muli %scan3A_67, %mul3A_86 : i32
      %add3A_88 = arith.constant 2 : i32
      %add3A_89 = arith.addi %mul3A_87, %add3A_88 : i32
      %dma_start3A_90 = arith.constant 0 : i32
      %dma_start3A_91 = tpu.memref_slice %arg4[%add3A_89, %dma_start3A_90] : memref<80x128xi32, #tpu.memory_space<vmem>> -> memref<1x128xi32, #tpu.memory_space<vmem>>
      %dma_start3A_92 = tpu.memref_squeeze %dma_start3A_91 : memref<1x128xi32, #tpu.memory_space<vmem>> -> memref<128xi32, #tpu.memory_space<vmem>>
      %dma_start3A_93 = arith.constant 0 : i32
      %dma_start3A_94 = tpu.memref_slice %arg8[%dma_start3A_93] : memref<10240xf32, #tpu.memory_space<vmem_shared>> -> memref<10240xf32, #tpu.memory_space<vmem_shared>>
      tpu.enqueue_indirect_dma source(%arg5 : memref<128xf32, #tpu.memory_space<vmem>>) target(%dma_start3A_94 : memref<10240xf32, #tpu.memory_space<vmem_shared>>) offsets(%dma_start3A_92 : memref<128xi32, #tpu.memory_space<vmem>>) semaphore(%arg7 : memref<!tpu.dma_semaphore, #tpu.memory_space<semaphore_mem>>) {add = true}
      %mul3A_95 = arith.constant 16 : i32
      %mul3A_96 = arith.muli %scan3A_67, %mul3A_95 : i32
      %add3A_97 = arith.constant 3 : i32
      %add3A_98 = arith.addi %mul3A_96, %add3A_97 : i32
      %dma_start3A_99 = arith.constant 0 : i32
      %dma_start3A_100 = tpu.memref_slice %arg4[%add3A_98, %dma_start3A_99] : memref<80x128xi32, #tpu.memory_space<vmem>> -> memref<1x128xi32, #tpu.memory_space<vmem>>
      %dma_start3A_101 = tpu.memref_squeeze %dma_start3A_100 : memref<1x128xi32, #tpu.memory_space<vmem>> -> memref<128xi32, #tpu.memory_space<vmem>>
      %dma_start3A_102 = arith.constant 0 : i32
      %dma_start3A_103 = tpu.memref_slice %arg8[%dma_start3A_102] : memref<10240xf32, #tpu.memory_space<vmem_shared>> -> memref<10240xf32, #tpu.memory_space<vmem_shared>>
      tpu.enqueue_indirect_dma source(%arg5 : memref<128xf32, #tpu.memory_space<vmem>>) target(%dma_start3A_103 : memref<10240xf32, #tpu.memory_space<vmem_shared>>) offsets(%dma_start3A_101 : memref<128xi32, #tpu.memory_space<vmem>>) semaphore(%arg7 : memref<!tpu.dma_semaphore, #tpu.memory_space<semaphore_mem>>) {add = true}
      %mul3A_104 = arith.constant 16 : i32
      %mul3A_105 = arith.muli %scan3A_67, %mul3A_104 : i32
      %add3A_106 = arith.constant 4 : i32
      %add3A_107 = arith.addi %mul3A_105, %add3A_106 : i32
      %dma_start3A_108 = arith.constant 0 : i32
      %dma_start3A_109 = tpu.memref_slice %arg4[%add3A_107, %dma_start3A_108] : memref<80x128xi32, #tpu.memory_space<vmem>> -> memref<1x128xi32, #tpu.memory_space<vmem>>
      %dma_start3A_110 = tpu.memref_squeeze %dma_start3A_109 : memref<1x128xi32, #tpu.memory_space<vmem>> -> memref<128xi32, #tpu.memory_space<vmem>>
      %dma_start3A_111 = arith.constant 0 : i32
      %dma_start3A_112 = tpu.memref_slice %arg8[%dma_start3A_111] : memref<10240xf32, #tpu.memory_space<vmem_shared>> -> memref<10240xf32, #tpu.memory_space<vmem_shared>>
      tpu.enqueue_indirect_dma source(%arg5 : memref<128xf32, #tpu.memory_space<vmem>>) target(%dma_start3A_112 : memref<10240xf32, #tpu.memory_space<vmem_shared>>) offsets(%dma_start3A_110 : memref<128xi32, #tpu.memory_space<vmem>>) semaphore(%arg7 : memref<!tpu.dma_semaphore, #tpu.memory_space<semaphore_mem>>) {add = true}
      %mul3A_113 = arith.constant 16 : i32
      %mul3A_114 = arith.muli %scan3A_67, %mul3A_113 : i32
      %add3A_115 = arith.constant 5 : i32
      %add3A_116 = arith.addi %mul3A_114, %add3A_115 : i32
      %dma_start3A_117 = arith.constant 0 : i32
      %dma_start3A_118 = tpu.memref_slice %arg4[%add3A_116, %dma_start3A_117] : memref<80x128xi32, #tpu.memory_space<vmem>> -> memref<1x128xi32, #tpu.memory_space<vmem>>
      %dma_start3A_119 = tpu.memref_squeeze %dma_start3A_118 : memref<1x128xi32, #tpu.memory_space<vmem>> -> memref<128xi32, #tpu.memory_space<vmem>>
      %dma_start3A_120 = arith.constant 0 : i32
      %dma_start3A_121 = tpu.memref_slice %arg8[%dma_start3A_120] : memref<10240xf32, #tpu.memory_space<vmem_shared>> -> memref<10240xf32, #tpu.memory_space<vmem_shared>>
      tpu.enqueue_indirect_dma source(%arg5 : memref<128xf32, #tpu.memory_space<vmem>>) target(%dma_start3A_121 : memref<10240xf32, #tpu.memory_space<vmem_shared>>) offsets(%dma_start3A_119 : memref<128xi32, #tpu.memory_space<vmem>>) semaphore(%arg7 : memref<!tpu.dma_semaphore, #tpu.memory_space<semaphore_mem>>) {add = true}
      %mul3A_122 = arith.constant 16 : i32
      %mul3A_123 = arith.muli %scan3A_67, %mul3A_122 : i32
      %add3A_124 = arith.constant 6 : i32
      %add3A_125 = arith.addi %mul3A_123, %add3A_124 : i32
      %dma_start3A_126 = arith.constant 0 : i32
      %dma_start3A_127 = tpu.memref_slice %arg4[%add3A_125, %dma_start3A_126] : memref<80x128xi32, #tpu.memory_space<vmem>> -> memref<1x128xi32, #tpu.memory_space<vmem>>
      %dma_start3A_128 = tpu.memref_squeeze %dma_start3A_127 : memref<1x128xi32, #tpu.memory_space<vmem>> -> memref<128xi32, #tpu.memory_space<vmem>>
      %dma_start3A_129 = arith.constant 0 : i32
      %dma_start3A_130 = tpu.memref_slice %arg8[%dma_start3A_129] : memref<10240xf32, #tpu.memory_space<vmem_shared>> -> memref<10240xf32, #tpu.memory_space<vmem_shared>>
      tpu.enqueue_indirect_dma source(%arg5 : memref<128xf32, #tpu.memory_space<vmem>>) target(%dma_start3A_130 : memref<10240xf32, #tpu.memory_space<vmem_shared>>) offsets(%dma_start3A_128 : memref<128xi32, #tpu.memory_space<vmem>>) semaphore(%arg7 : memref<!tpu.dma_semaphore, #tpu.memory_space<semaphore_mem>>) {add = true}
      %mul3A_131 = arith.constant 16 : i32
      %mul3A_132 = arith.muli %scan3A_67, %mul3A_131 : i32
      %add3A_133 = arith.constant 7 : i32
      %add3A_134 = arith.addi %mul3A_132, %add3A_133 : i32
      %dma_start3A_135 = arith.constant 0 : i32
      %dma_start3A_136 = tpu.memref_slice %arg4[%add3A_134, %dma_start3A_135] : memref<80x128xi32, #tpu.memory_space<vmem>> -> memref<1x128xi32, #tpu.memory_space<vmem>>
      %dma_start3A_137 = tpu.memref_squeeze %dma_start3A_136 : memref<1x128xi32, #tpu.memory_space<vmem>> -> memref<128xi32, #tpu.memory_space<vmem>>
      %dma_start3A_138 = arith.constant 0 : i32
      %dma_start3A_139 = tpu.memref_slice %arg8[%dma_start3A_138] : memref<10240xf32, #tpu.memory_space<vmem_shared>> -> memref<10240xf32, #tpu.memory_space<vmem_shared>>
      tpu.enqueue_indirect_dma source(%arg5 : memref<128xf32, #tpu.memory_space<vmem>>) target(%dma_start3A_139 : memref<10240xf32, #tpu.memory_space<vmem_shared>>) offsets(%dma_start3A_137 : memref<128xi32, #tpu.memory_space<vmem>>) semaphore(%arg7 : memref<!tpu.dma_semaphore, #tpu.memory_space<semaphore_mem>>) {add = true}
      %mul3A_140 = arith.constant 16 : i32
      %mul3A_141 = arith.muli %scan3A_67, %mul3A_140 : i32
      %add3A_142 = arith.constant 8 : i32
      %add3A_143 = arith.addi %mul3A_141, %add3A_142 : i32
      %dma_start3A_144 = arith.constant 0 : i32
      %dma_start3A_145 = tpu.memref_slice %arg4[%add3A_143, %dma_start3A_144] : memref<80x128xi32, #tpu.memory_space<vmem>> -> memref<1x128xi32, #tpu.memory_space<vmem>>
      %dma_start3A_146 = tpu.memref_squeeze %dma_start3A_145 : memref<1x128xi32, #tpu.memory_space<vmem>> -> memref<128xi32, #tpu.memory_space<vmem>>
      %dma_start3A_147 = arith.constant 0 : i32
      %dma_start3A_148 = tpu.memref_slice %arg8[%dma_start3A_147] : memref<10240xf32, #tpu.memory_space<vmem_shared>> -> memref<10240xf32, #tpu.memory_space<vmem_shared>>
      tpu.enqueue_indirect_dma source(%arg5 : memref<128xf32, #tpu.memory_space<vmem>>) target(%dma_start3A_148 : memref<10240xf32, #tpu.memory_space<vmem_shared>>) offsets(%dma_start3A_146 : memref<128xi32, #tpu.memory_space<vmem>>) semaphore(%arg7 : memref<!tpu.dma_semaphore, #tpu.memory_space<semaphore_mem>>) {add = true}
      %mul3A_149 = arith.constant 16 : i32
      %mul3A_150 = arith.muli %scan3A_67, %mul3A_149 : i32
      %add3A_151 = arith.constant 9 : i32
      %add3A_152 = arith.addi %mul3A_150, %add3A_151 : i32
      %dma_start3A_153 = arith.constant 0 : i32
      %dma_start3A_154 = tpu.memref_slice %arg4[%add3A_152, %dma_start3A_153] : memref<80x128xi32, #tpu.memory_space<vmem>> -> memref<1x128xi32, #tpu.memory_space<vmem>>
      %dma_start3A_155 = tpu.memref_squeeze %dma_start3A_154 : memref<1x128xi32, #tpu.memory_space<vmem>> -> memref<128xi32, #tpu.memory_space<vmem>>
      %dma_start3A_156 = arith.constant 0 : i32
      %dma_start3A_157 = tpu.memref_slice %arg8[%dma_start3A_156] : memref<10240xf32, #tpu.memory_space<vmem_shared>> -> memref<10240xf32, #tpu.memory_space<vmem_shared>>
      tpu.enqueue_indirect_dma source(%arg5 : memref<128xf32, #tpu.memory_space<vmem>>) target(%dma_start3A_157 : memref<10240xf32, #tpu.memory_space<vmem_shared>>) offsets(%dma_start3A_155 : memref<128xi32, #tpu.memory_space<vmem>>) semaphore(%arg7 : memref<!tpu.dma_semaphore, #tpu.memory_space<semaphore_mem>>) {add = true}
      %mul3A_158 = arith.constant 16 : i32
      %mul3A_159 = arith.muli %scan3A_67, %mul3A_158 : i32
      %add3A_160 = arith.constant 10 : i32
      %add3A_161 = arith.addi %mul3A_159, %add3A_160 : i32
      %dma_start3A_162 = arith.constant 0 : i32
      %dma_start3A_163 = tpu.memref_slice %arg4[%add3A_161, %dma_start3A_162] : memref<80x128xi32, #tpu.memory_space<vmem>> -> memref<1x128xi32, #tpu.memory_space<vmem>>
      %dma_start3A_164 = tpu.memref_squeeze %dma_start3A_163 : memref<1x128xi32, #tpu.memory_space<vmem>> -> memref<128xi32, #tpu.memory_space<vmem>>
      %dma_start3A_165 = arith.constant 0 : i32
      %dma_start3A_166 = tpu.memref_slice %arg8[%dma_start3A_165] : memref<10240xf32, #tpu.memory_space<vmem_shared>> -> memref<10240xf32, #tpu.memory_space<vmem_shared>>
      tpu.enqueue_indirect_dma source(%arg5 : memref<128xf32, #tpu.memory_space<vmem>>) target(%dma_start3A_166 : memref<10240xf32, #tpu.memory_space<vmem_shared>>) offsets(%dma_start3A_164 : memref<128xi32, #tpu.memory_space<vmem>>) semaphore(%arg7 : memref<!tpu.dma_semaphore, #tpu.memory_space<semaphore_mem>>) {add = true}
      %mul3A_167 = arith.constant 16 : i32
      %mul3A_168 = arith.muli %scan3A_67, %mul3A_167 : i32
      %add3A_169 = arith.constant 11 : i32
      %add3A_170 = arith.addi %mul3A_168, %add3A_169 : i32
      %dma_start3A_171 = arith.constant 0 : i32
      %dma_start3A_172 = tpu.memref_slice %arg4[%add3A_170, %dma_start3A_171] : memref<80x128xi32, #tpu.memory_space<vmem>> -> memref<1x128xi32, #tpu.memory_space<vmem>>
      %dma_start3A_173 = tpu.memref_squeeze %dma_start3A_172 : memref<1x128xi32, #tpu.memory_space<vmem>> -> memref<128xi32, #tpu.memory_space<vmem>>
      %dma_start3A_174 = arith.constant 0 : i32
      %dma_start3A_175 = tpu.memref_slice %arg8[%dma_start3A_174] : memref<10240xf32, #tpu.memory_space<vmem_shared>> -> memref<10240xf32, #tpu.memory_space<vmem_shared>>
      tpu.enqueue_indirect_dma source(%arg5 : memref<128xf32, #tpu.memory_space<vmem>>) target(%dma_start3A_175 : memref<10240xf32, #tpu.memory_space<vmem_shared>>) offsets(%dma_start3A_173 : memref<128xi32, #tpu.memory_space<vmem>>) semaphore(%arg7 : memref<!tpu.dma_semaphore, #tpu.memory_space<semaphore_mem>>) {add = true}
      %mul3A_176 = arith.constant 16 : i32
      %mul3A_177 = arith.muli %scan3A_67, %mul3A_176 : i32
      %add3A_178 = arith.constant 12 : i32
      %add3A_179 = arith.addi %mul3A_177, %add3A_178 : i32
      %dma_start3A_180 = arith.constant 0 : i32
      %dma_start3A_181 = tpu.memref_slice %arg4[%add3A_179, %dma_start3A_180] : memref<80x128xi32, #tpu.memory_space<vmem>> -> memref<1x128xi32, #tpu.memory_space<vmem>>
      %dma_start3A_182 = tpu.memref_squeeze %dma_start3A_181 : memref<1x128xi32, #tpu.memory_space<vmem>> -> memref<128xi32, #tpu.memory_space<vmem>>
      %dma_start3A_183 = arith.constant 0 : i32
      %dma_start3A_184 = tpu.memref_slice %arg8[%dma_start3A_183] : memref<10240xf32, #tpu.memory_space<vmem_shared>> -> memref<10240xf32, #tpu.memory_space<vmem_shared>>
      tpu.enqueue_indirect_dma source(%arg5 : memref<128xf32, #tpu.memory_space<vmem>>) target(%dma_start3A_184 : memref<10240xf32, #tpu.memory_space<vmem_shared>>) offsets(%dma_start3A_182 : memref<128xi32, #tpu.memory_space<vmem>>) semaphore(%arg7 : memref<!tpu.dma_semaphore, #tpu.memory_space<semaphore_mem>>) {add = true}
      %mul3A_185 = arith.constant 16 : i32
      %mul3A_186 = arith.muli %scan3A_67, %mul3A_185 : i32
      %add3A_187 = arith.constant 13 : i32
      %add3A_188 = arith.addi %mul3A_186, %add3A_187 : i32
      %dma_start3A_189 = arith.constant 0 : i32
      %dma_start3A_190 = tpu.memref_slice %arg4[%add3A_188, %dma_start3A_189] : memref<80x128xi32, #tpu.memory_space<vmem>> -> memref<1x128xi32, #tpu.memory_space<vmem>>
      %dma_start3A_191 = tpu.memref_squeeze %dma_start3A_190 : memref<1x128xi32, #tpu.memory_space<vmem>> -> memref<128xi32, #tpu.memory_space<vmem>>
      %dma_start3A_192 = arith.constant 0 : i32
      %dma_start3A_193 = tpu.memref_slice %arg8[%dma_start3A_192] : memref<10240xf32, #tpu.memory_space<vmem_shared>> -> memref<10240xf32, #tpu.memory_space<vmem_shared>>
      tpu.enqueue_indirect_dma source(%arg5 : memref<128xf32, #tpu.memory_space<vmem>>) target(%dma_start3A_193 : memref<10240xf32, #tpu.memory_space<vmem_shared>>) offsets(%dma_start3A_191 : memref<128xi32, #tpu.memory_space<vmem>>) semaphore(%arg7 : memref<!tpu.dma_semaphore, #tpu.memory_space<semaphore_mem>>) {add = true}
      %mul3A_194 = arith.constant 16 : i32
      %mul3A_195 = arith.muli %scan3A_67, %mul3A_194 : i32
      %add3A_196 = arith.constant 14 : i32
      %add3A_197 = arith.addi %mul3A_195, %add3A_196 : i32
      %dma_start3A_198 = arith.constant 0 : i32
      %dma_start3A_199 = tpu.memref_slice %arg4[%add3A_197, %dma_start3A_198] : memref<80x128xi32, #tpu.memory_space<vmem>> -> memref<1x128xi32, #tpu.memory_space<vmem>>
      %dma_start3A_200 = tpu.memref_squeeze %dma_start3A_199 : memref<1x128xi32, #tpu.memory_space<vmem>> -> memref<128xi32, #tpu.memory_space<vmem>>
      %dma_start3A_201 = arith.constant 0 : i32
      %dma_start3A_202 = tpu.memref_slice %arg8[%dma_start3A_201] : memref<10240xf32, #tpu.memory_space<vmem_shared>> -> memref<10240xf32, #tpu.memory_space<vmem_shared>>
      tpu.enqueue_indirect_dma source(%arg5 : memref<128xf32, #tpu.memory_space<vmem>>) target(%dma_start3A_202 : memref<10240xf32, #tpu.memory_space<vmem_shared>>) offsets(%dma_start3A_200 : memref<128xi32, #tpu.memory_space<vmem>>) semaphore(%arg7 : memref<!tpu.dma_semaphore, #tpu.memory_space<semaphore_mem>>) {add = true}
      %mul3A_203 = arith.constant 16 : i32
      %mul3A_204 = arith.muli %scan3A_67, %mul3A_203 : i32
      %add3A_205 = arith.constant 15 : i32
      %add3A_206 = arith.addi %mul3A_204, %add3A_205 : i32
      %dma_start3A_207 = arith.constant 0 : i32
      %dma_start3A_208 = tpu.memref_slice %arg4[%add3A_206, %dma_start3A_207] : memref<80x128xi32, #tpu.memory_space<vmem>> -> memref<1x128xi32, #tpu.memory_space<vmem>>
      %dma_start3A_209 = tpu.memref_squeeze %dma_start3A_208 : memref<1x128xi32, #tpu.memory_space<vmem>> -> memref<128xi32, #tpu.memory_space<vmem>>
      %dma_start3A_210 = arith.constant 0 : i32
      %dma_start3A_211 = tpu.memref_slice %arg8[%dma_start3A_210] : memref<10240xf32, #tpu.memory_space<vmem_shared>> -> memref<10240xf32, #tpu.memory_space<vmem_shared>>
      tpu.enqueue_indirect_dma source(%arg5 : memref<128xf32, #tpu.memory_space<vmem>>) target(%dma_start3A_211 : memref<10240xf32, #tpu.memory_space<vmem_shared>>) offsets(%dma_start3A_209 : memref<128xi32, #tpu.memory_space<vmem>>) semaphore(%arg7 : memref<!tpu.dma_semaphore, #tpu.memory_space<semaphore_mem>>) {add = true}
      %mul3A_212 = arith.constant 16 : i32
      %mul3A_213 = arith.muli %scan3A_67, %mul3A_212 : i32
      %add3A_214 = arith.constant 0 : i32
      %add3A_215 = arith.addi %mul3A_213, %add3A_214 : i32
      %dma_wait3A = arith.constant 0 : i32
      %dma_wait3A_216 = tpu.memref_slice %arg4[%add3A_215, %dma_wait3A] : memref<80x128xi32, #tpu.memory_space<vmem>> -> memref<1x128xi32, #tpu.memory_space<vmem>>
      %dma_wait3A_217 = tpu.memref_squeeze %dma_wait3A_216 : memref<1x128xi32, #tpu.memory_space<vmem>> -> memref<128xi32, #tpu.memory_space<vmem>>
      %dma_wait3A_218 = arith.constant 0 : i32
      %dma_wait3A_219 = tpu.memref_slice %arg8[%dma_wait3A_218] : memref<10240xf32, #tpu.memory_space<vmem_shared>> -> memref<10240xf32, #tpu.memory_space<vmem_shared>>
      tpu.wait_indirect_dma semaphore(%arg7 : memref<!tpu.dma_semaphore, #tpu.memory_space<semaphore_mem>>) src(%arg5 : memref<128xf32, #tpu.memory_space<vmem>>) dst(%dma_wait3A_219 : memref<10240xf32, #tpu.memory_space<vmem_shared>>)
      %mul3A_220 = arith.constant 16 : i32
      %mul3A_221 = arith.muli %scan3A_67, %mul3A_220 : i32
      %add3A_222 = arith.constant 1 : i32
      %add3A_223 = arith.addi %mul3A_221, %add3A_222 : i32
      %dma_wait3A_224 = arith.constant 0 : i32
      %dma_wait3A_225 = tpu.memref_slice %arg4[%add3A_223, %dma_wait3A_224] : memref<80x128xi32, #tpu.memory_space<vmem>> -> memref<1x128xi32, #tpu.memory_space<vmem>>
      %dma_wait3A_226 = tpu.memref_squeeze %dma_wait3A_225 : memref<1x128xi32, #tpu.memory_space<vmem>> -> memref<128xi32, #tpu.memory_space<vmem>>
      %dma_wait3A_227 = arith.constant 0 : i32
      %dma_wait3A_228 = tpu.memref_slice %arg8[%dma_wait3A_227] : memref<10240xf32, #tpu.memory_space<vmem_shared>> -> memref<10240xf32, #tpu.memory_space<vmem_shared>>
      tpu.wait_indirect_dma semaphore(%arg7 : memref<!tpu.dma_semaphore, #tpu.memory_space<semaphore_mem>>) src(%arg5 : memref<128xf32, #tpu.memory_space<vmem>>) dst(%dma_wait3A_228 : memref<10240xf32, #tpu.memory_space<vmem_shared>>)
      %mul3A_229 = arith.constant 16 : i32
      %mul3A_230 = arith.muli %scan3A_67, %mul3A_229 : i32
      %add3A_231 = arith.constant 2 : i32
      %add3A_232 = arith.addi %mul3A_230, %add3A_231 : i32
      %dma_wait3A_233 = arith.constant 0 : i32
      %dma_wait3A_234 = tpu.memref_slice %arg4[%add3A_232, %dma_wait3A_233] : memref<80x128xi32, #tpu.memory_space<vmem>> -> memref<1x128xi32, #tpu.memory_space<vmem>>
      %dma_wait3A_235 = tpu.memref_squeeze %dma_wait3A_234 : memref<1x128xi32, #tpu.memory_space<vmem>> -> memref<128xi32, #tpu.memory_space<vmem>>
      %dma_wait3A_236 = arith.constant 0 : i32
      %dma_wait3A_237 = tpu.memref_slice %arg8[%dma_wait3A_236] : memref<10240xf32, #tpu.memory_space<vmem_shared>> -> memref<10240xf32, #tpu.memory_space<vmem_shared>>
      tpu.wait_indirect_dma semaphore(%arg7 : memref<!tpu.dma_semaphore, #tpu.memory_space<semaphore_mem>>) src(%arg5 : memref<128xf32, #tpu.memory_space<vmem>>) dst(%dma_wait3A_237 : memref<10240xf32, #tpu.memory_space<vmem_shared>>)
      %mul3A_238 = arith.constant 16 : i32
      %mul3A_239 = arith.muli %scan3A_67, %mul3A_238 : i32
      %add3A_240 = arith.constant 3 : i32
      %add3A_241 = arith.addi %mul3A_239, %add3A_240 : i32
      %dma_wait3A_242 = arith.constant 0 : i32
      %dma_wait3A_243 = tpu.memref_slice %arg4[%add3A_241, %dma_wait3A_242] : memref<80x128xi32, #tpu.memory_space<vmem>> -> memref<1x128xi32, #tpu.memory_space<vmem>>
      %dma_wait3A_244 = tpu.memref_squeeze %dma_wait3A_243 : memref<1x128xi32, #tpu.memory_space<vmem>> -> memref<128xi32, #tpu.memory_space<vmem>>
      %dma_wait3A_245 = arith.constant 0 : i32
      %dma_wait3A_246 = tpu.memref_slice %arg8[%dma_wait3A_245] : memref<10240xf32, #tpu.memory_space<vmem_shared>> -> memref<10240xf32, #tpu.memory_space<vmem_shared>>
      tpu.wait_indirect_dma semaphore(%arg7 : memref<!tpu.dma_semaphore, #tpu.memory_space<semaphore_mem>>) src(%arg5 : memref<128xf32, #tpu.memory_space<vmem>>) dst(%dma_wait3A_246 : memref<10240xf32, #tpu.memory_space<vmem_shared>>)
      %mul3A_247 = arith.constant 16 : i32
      %mul3A_248 = arith.muli %scan3A_67, %mul3A_247 : i32
      %add3A_249 = arith.constant 4 : i32
      %add3A_250 = arith.addi %mul3A_248, %add3A_249 : i32
      %dma_wait3A_251 = arith.constant 0 : i32
      %dma_wait3A_252 = tpu.memref_slice %arg4[%add3A_250, %dma_wait3A_251] : memref<80x128xi32, #tpu.memory_space<vmem>> -> memref<1x128xi32, #tpu.memory_space<vmem>>
      %dma_wait3A_253 = tpu.memref_squeeze %dma_wait3A_252 : memref<1x128xi32, #tpu.memory_space<vmem>> -> memref<128xi32, #tpu.memory_space<vmem>>
      %dma_wait3A_254 = arith.constant 0 : i32
      %dma_wait3A_255 = tpu.memref_slice %arg8[%dma_wait3A_254] : memref<10240xf32, #tpu.memory_space<vmem_shared>> -> memref<10240xf32, #tpu.memory_space<vmem_shared>>
      tpu.wait_indirect_dma semaphore(%arg7 : memref<!tpu.dma_semaphore, #tpu.memory_space<semaphore_mem>>) src(%arg5 : memref<128xf32, #tpu.memory_space<vmem>>) dst(%dma_wait3A_255 : memref<10240xf32, #tpu.memory_space<vmem_shared>>)
      %mul3A_256 = arith.constant 16 : i32
      %mul3A_257 = arith.muli %scan3A_67, %mul3A_256 : i32
      %add3A_258 = arith.constant 5 : i32
      %add3A_259 = arith.addi %mul3A_257, %add3A_258 : i32
      %dma_wait3A_260 = arith.constant 0 : i32
      %dma_wait3A_261 = tpu.memref_slice %arg4[%add3A_259, %dma_wait3A_260] : memref<80x128xi32, #tpu.memory_space<vmem>> -> memref<1x128xi32, #tpu.memory_space<vmem>>
      %dma_wait3A_262 = tpu.memref_squeeze %dma_wait3A_261 : memref<1x128xi32, #tpu.memory_space<vmem>> -> memref<128xi32, #tpu.memory_space<vmem>>
      %dma_wait3A_263 = arith.constant 0 : i32
      %dma_wait3A_264 = tpu.memref_slice %arg8[%dma_wait3A_263] : memref<10240xf32, #tpu.memory_space<vmem_shared>> -> memref<10240xf32, #tpu.memory_space<vmem_shared>>
      tpu.wait_indirect_dma semaphore(%arg7 : memref<!tpu.dma_semaphore, #tpu.memory_space<semaphore_mem>>) src(%arg5 : memref<128xf32, #tpu.memory_space<vmem>>) dst(%dma_wait3A_264 : memref<10240xf32, #tpu.memory_space<vmem_shared>>)
      %mul3A_265 = arith.constant 16 : i32
      %mul3A_266 = arith.muli %scan3A_67, %mul3A_265 : i32
      %add3A_267 = arith.constant 6 : i32
      %add3A_268 = arith.addi %mul3A_266, %add3A_267 : i32
      %dma_wait3A_269 = arith.constant 0 : i32
      %dma_wait3A_270 = tpu.memref_slice %arg4[%add3A_268, %dma_wait3A_269] : memref<80x128xi32, #tpu.memory_space<vmem>> -> memref<1x128xi32, #tpu.memory_space<vmem>>
      %dma_wait3A_271 = tpu.memref_squeeze %dma_wait3A_270 : memref<1x128xi32, #tpu.memory_space<vmem>> -> memref<128xi32, #tpu.memory_space<vmem>>
      %dma_wait3A_272 = arith.constant 0 : i32
      %dma_wait3A_273 = tpu.memref_slice %arg8[%dma_wait3A_272] : memref<10240xf32, #tpu.memory_space<vmem_shared>> -> memref<10240xf32, #tpu.memory_space<vmem_shared>>
      tpu.wait_indirect_dma semaphore(%arg7 : memref<!tpu.dma_semaphore, #tpu.memory_space<semaphore_mem>>) src(%arg5 : memref<128xf32, #tpu.memory_space<vmem>>) dst(%dma_wait3A_273 : memref<10240xf32, #tpu.memory_space<vmem_shared>>)
      %mul3A_274 = arith.constant 16 : i32
      %mul3A_275 = arith.muli %scan3A_67, %mul3A_274 : i32
      %add3A_276 = arith.constant 7 : i32
      %add3A_277 = arith.addi %mul3A_275, %add3A_276 : i32
      %dma_wait3A_278 = arith.constant 0 : i32
      %dma_wait3A_279 = tpu.memref_slice %arg4[%add3A_277, %dma_wait3A_278] : memref<80x128xi32, #tpu.memory_space<vmem>> -> memref<1x128xi32, #tpu.memory_space<vmem>>
      %dma_wait3A_280 = tpu.memref_squeeze %dma_wait3A_279 : memref<1x128xi32, #tpu.memory_space<vmem>> -> memref<128xi32, #tpu.memory_space<vmem>>
      %dma_wait3A_281 = arith.constant 0 : i32
      %dma_wait3A_282 = tpu.memref_slice %arg8[%dma_wait3A_281] : memref<10240xf32, #tpu.memory_space<vmem_shared>> -> memref<10240xf32, #tpu.memory_space<vmem_shared>>
      tpu.wait_indirect_dma semaphore(%arg7 : memref<!tpu.dma_semaphore, #tpu.memory_space<semaphore_mem>>) src(%arg5 : memref<128xf32, #tpu.memory_space<vmem>>) dst(%dma_wait3A_282 : memref<10240xf32, #tpu.memory_space<vmem_shared>>)
      %mul3A_283 = arith.constant 16 : i32
      %mul3A_284 = arith.muli %scan3A_67, %mul3A_283 : i32
      %add3A_285 = arith.constant 8 : i32
      %add3A_286 = arith.addi %mul3A_284, %add3A_285 : i32
      %dma_wait3A_287 = arith.constant 0 : i32
      %dma_wait3A_288 = tpu.memref_slice %arg4[%add3A_286, %dma_wait3A_287] : memref<80x128xi32, #tpu.memory_space<vmem>> -> memref<1x128xi32, #tpu.memory_space<vmem>>
      %dma_wait3A_289 = tpu.memref_squeeze %dma_wait3A_288 : memref<1x128xi32, #tpu.memory_space<vmem>> -> memref<128xi32, #tpu.memory_space<vmem>>
      %dma_wait3A_290 = arith.constant 0 : i32
      %dma_wait3A_291 = tpu.memref_slice %arg8[%dma_wait3A_290] : memref<10240xf32, #tpu.memory_space<vmem_shared>> -> memref<10240xf32, #tpu.memory_space<vmem_shared>>
      tpu.wait_indirect_dma semaphore(%arg7 : memref<!tpu.dma_semaphore, #tpu.memory_space<semaphore_mem>>) src(%arg5 : memref<128xf32, #tpu.memory_space<vmem>>) dst(%dma_wait3A_291 : memref<10240xf32, #tpu.memory_space<vmem_shared>>)
      %mul3A_292 = arith.constant 16 : i32
      %mul3A_293 = arith.muli %scan3A_67, %mul3A_292 : i32
      %add3A_294 = arith.constant 9 : i32
      %add3A_295 = arith.addi %mul3A_293, %add3A_294 : i32
      %dma_wait3A_296 = arith.constant 0 : i32
      %dma_wait3A_297 = tpu.memref_slice %arg4[%add3A_295, %dma_wait3A_296] : memref<80x128xi32, #tpu.memory_space<vmem>> -> memref<1x128xi32, #tpu.memory_space<vmem>>
      %dma_wait3A_298 = tpu.memref_squeeze %dma_wait3A_297 : memref<1x128xi32, #tpu.memory_space<vmem>> -> memref<128xi32, #tpu.memory_space<vmem>>
      %dma_wait3A_299 = arith.constant 0 : i32
      %dma_wait3A_300 = tpu.memref_slice %arg8[%dma_wait3A_299] : memref<10240xf32, #tpu.memory_space<vmem_shared>> -> memref<10240xf32, #tpu.memory_space<vmem_shared>>
      tpu.wait_indirect_dma semaphore(%arg7 : memref<!tpu.dma_semaphore, #tpu.memory_space<semaphore_mem>>) src(%arg5 : memref<128xf32, #tpu.memory_space<vmem>>) dst(%dma_wait3A_300 : memref<10240xf32, #tpu.memory_space<vmem_shared>>)
      %mul3A_301 = arith.constant 16 : i32
      %mul3A_302 = arith.muli %scan3A_67, %mul3A_301 : i32
      %add3A_303 = arith.constant 10 : i32
      %add3A_304 = arith.addi %mul3A_302, %add3A_303 : i32
      %dma_wait3A_305 = arith.constant 0 : i32
      %dma_wait3A_306 = tpu.memref_slice %arg4[%add3A_304, %dma_wait3A_305] : memref<80x128xi32, #tpu.memory_space<vmem>> -> memref<1x128xi32, #tpu.memory_space<vmem>>
      %dma_wait3A_307 = tpu.memref_squeeze %dma_wait3A_306 : memref<1x128xi32, #tpu.memory_space<vmem>> -> memref<128xi32, #tpu.memory_space<vmem>>
      %dma_wait3A_308 = arith.constant 0 : i32
      %dma_wait3A_309 = tpu.memref_slice %arg8[%dma_wait3A_308] : memref<10240xf32, #tpu.memory_space<vmem_shared>> -> memref<10240xf32, #tpu.memory_space<vmem_shared>>
      tpu.wait_indirect_dma semaphore(%arg7 : memref<!tpu.dma_semaphore, #tpu.memory_space<semaphore_mem>>) src(%arg5 : memref<128xf32, #tpu.memory_space<vmem>>) dst(%dma_wait3A_309 : memref<10240xf32, #tpu.memory_space<vmem_shared>>)
      %mul3A_310 = arith.constant 16 : i32
      %mul3A_311 = arith.muli %scan3A_67, %mul3A_310 : i32
      %add3A_312 = arith.constant 11 : i32
      %add3A_313 = arith.addi %mul3A_311, %add3A_312 : i32
      %dma_wait3A_314 = arith.constant 0 : i32
      %dma_wait3A_315 = tpu.memref_slice %arg4[%add3A_313, %dma_wait3A_314] : memref<80x128xi32, #tpu.memory_space<vmem>> -> memref<1x128xi32, #tpu.memory_space<vmem>>
      %dma_wait3A_316 = tpu.memref_squeeze %dma_wait3A_315 : memref<1x128xi32, #tpu.memory_space<vmem>> -> memref<128xi32, #tpu.memory_space<vmem>>
      %dma_wait3A_317 = arith.constant 0 : i32
      %dma_wait3A_318 = tpu.memref_slice %arg8[%dma_wait3A_317] : memref<10240xf32, #tpu.memory_space<vmem_shared>> -> memref<10240xf32, #tpu.memory_space<vmem_shared>>
      tpu.wait_indirect_dma semaphore(%arg7 : memref<!tpu.dma_semaphore, #tpu.memory_space<semaphore_mem>>) src(%arg5 : memref<128xf32, #tpu.memory_space<vmem>>) dst(%dma_wait3A_318 : memref<10240xf32, #tpu.memory_space<vmem_shared>>)
      %mul3A_319 = arith.constant 16 : i32
      %mul3A_320 = arith.muli %scan3A_67, %mul3A_319 : i32
      %add3A_321 = arith.constant 12 : i32
      %add3A_322 = arith.addi %mul3A_320, %add3A_321 : i32
      %dma_wait3A_323 = arith.constant 0 : i32
      %dma_wait3A_324 = tpu.memref_slice %arg4[%add3A_322, %dma_wait3A_323] : memref<80x128xi32, #tpu.memory_space<vmem>> -> memref<1x128xi32, #tpu.memory_space<vmem>>
      %dma_wait3A_325 = tpu.memref_squeeze %dma_wait3A_324 : memref<1x128xi32, #tpu.memory_space<vmem>> -> memref<128xi32, #tpu.memory_space<vmem>>
      %dma_wait3A_326 = arith.constant 0 : i32
      %dma_wait3A_327 = tpu.memref_slice %arg8[%dma_wait3A_326] : memref<10240xf32, #tpu.memory_space<vmem_shared>> -> memref<10240xf32, #tpu.memory_space<vmem_shared>>
      tpu.wait_indirect_dma semaphore(%arg7 : memref<!tpu.dma_semaphore, #tpu.memory_space<semaphore_mem>>) src(%arg5 : memref<128xf32, #tpu.memory_space<vmem>>) dst(%dma_wait3A_327 : memref<10240xf32, #tpu.memory_space<vmem_shared>>)
      %mul3A_328 = arith.constant 16 : i32
      %mul3A_329 = arith.muli %scan3A_67, %mul3A_328 : i32
      %add3A_330 = arith.constant 13 : i32
      %add3A_331 = arith.addi %mul3A_329, %add3A_330 : i32
      %dma_wait3A_332 = arith.constant 0 : i32
      %dma_wait3A_333 = tpu.memref_slice %arg4[%add3A_331, %dma_wait3A_332] : memref<80x128xi32, #tpu.memory_space<vmem>> -> memref<1x128xi32, #tpu.memory_space<vmem>>
      %dma_wait3A_334 = tpu.memref_squeeze %dma_wait3A_333 : memref<1x128xi32, #tpu.memory_space<vmem>> -> memref<128xi32, #tpu.memory_space<vmem>>
      %dma_wait3A_335 = arith.constant 0 : i32
      %dma_wait3A_336 = tpu.memref_slice %arg8[%dma_wait3A_335] : memref<10240xf32, #tpu.memory_space<vmem_shared>> -> memref<10240xf32, #tpu.memory_space<vmem_shared>>
      tpu.wait_indirect_dma semaphore(%arg7 : memref<!tpu.dma_semaphore, #tpu.memory_space<semaphore_mem>>) src(%arg5 : memref<128xf32, #tpu.memory_space<vmem>>) dst(%dma_wait3A_336 : memref<10240xf32, #tpu.memory_space<vmem_shared>>)
      %mul3A_337 = arith.constant 16 : i32
      %mul3A_338 = arith.muli %scan3A_67, %mul3A_337 : i32
      %add3A_339 = arith.constant 14 : i32
      %add3A_340 = arith.addi %mul3A_338, %add3A_339 : i32
      %dma_wait3A_341 = arith.constant 0 : i32
      %dma_wait3A_342 = tpu.memref_slice %arg4[%add3A_340, %dma_wait3A_341] : memref<80x128xi32, #tpu.memory_space<vmem>> -> memref<1x128xi32, #tpu.memory_space<vmem>>
      %dma_wait3A_343 = tpu.memref_squeeze %dma_wait3A_342 : memref<1x128xi32, #tpu.memory_space<vmem>> -> memref<128xi32, #tpu.memory_space<vmem>>
      %dma_wait3A_344 = arith.constant 0 : i32
      %dma_wait3A_345 = tpu.memref_slice %arg8[%dma_wait3A_344] : memref<10240xf32, #tpu.memory_space<vmem_shared>> -> memref<10240xf32, #tpu.memory_space<vmem_shared>>
      tpu.wait_indirect_dma semaphore(%arg7 : memref<!tpu.dma_semaphore, #tpu.memory_space<semaphore_mem>>) src(%arg5 : memref<128xf32, #tpu.memory_space<vmem>>) dst(%dma_wait3A_345 : memref<10240xf32, #tpu.memory_space<vmem_shared>>)
      %mul3A_346 = arith.constant 16 : i32
      %mul3A_347 = arith.muli %scan3A_67, %mul3A_346 : i32
      %add3A_348 = arith.constant 15 : i32
      %add3A_349 = arith.addi %mul3A_347, %add3A_348 : i32
      %dma_wait3A_350 = arith.constant 0 : i32
      %dma_wait3A_351 = tpu.memref_slice %arg4[%add3A_349, %dma_wait3A_350] : memref<80x128xi32, #tpu.memory_space<vmem>> -> memref<1x128xi32, #tpu.memory_space<vmem>>
      %dma_wait3A_352 = tpu.memref_squeeze %dma_wait3A_351 : memref<1x128xi32, #tpu.memory_space<vmem>> -> memref<128xi32, #tpu.memory_space<vmem>>
      %dma_wait3A_353 = arith.constant 0 : i32
      %dma_wait3A_354 = tpu.memref_slice %arg8[%dma_wait3A_353] : memref<10240xf32, #tpu.memory_space<vmem_shared>> -> memref<10240xf32, #tpu.memory_space<vmem_shared>>
      tpu.wait_indirect_dma semaphore(%arg7 : memref<!tpu.dma_semaphore, #tpu.memory_space<semaphore_mem>>) src(%arg5 : memref<128xf32, #tpu.memory_space<vmem>>) dst(%dma_wait3A_354 : memref<10240xf32, #tpu.memory_space<vmem_shared>>)
      %scan3A_355 = arith.constant 0 : i32
      scf.yield %scan3A_355 : i32
    }
    %scan3A_61 = arith.constant 5 : i32
    %barrier3A_62 = arith.constant 0 : index
    tpu.barrier barrier_id(%barrier3A_62)
    %mul3A_63 = arith.constant 640 : i32
    %mul3A_64 = arith.muli %arg1, %mul3A_63 : i32
    %mul3A_65 = arith.constant 640 : i32
    %mul3A_66 = arith.muli %arg1, %mul3A_65 : i32
    "tpu.region"() ({
      %run_scoped3A = tpu.sem_alloc : memref<!tpu.dma_semaphore, #tpu.memory_space<semaphore_mem>>
      %dma_start3A = tpu.memref_slice %arg3[%arg0, %mul3A_66] : memref<2x10240xf32, #tpu.memory_space<hbm>> -> memref<1x640xf32, #tpu.memory_space<hbm>>
      %dma_start3A_67 = tpu.memref_squeeze %dma_start3A : memref<1x640xf32, #tpu.memory_space<hbm>> -> memref<640xf32, #tpu.memory_space<hbm>>
      %dma_start3A_68 = tpu.memref_slice %arg8[%mul3A_64] : memref<10240xf32, #tpu.memory_space<vmem_shared>> -> memref<640xf32, #tpu.memory_space<vmem_shared>>
      tpu.enqueue_dma source(%dma_start3A_68 : memref<640xf32, #tpu.memory_space<vmem_shared>>) target(%dma_start3A_67 : memref<640xf32, #tpu.memory_space<hbm>>) target_semaphore(%run_scoped3A : memref<!tpu.dma_semaphore, #tpu.memory_space<semaphore_mem>>)
      %dma_wait3A = tpu.memref_slice %arg3[%arg0, %mul3A_66] : memref<2x10240xf32, #tpu.memory_space<hbm>> -> memref<1x640xf32, #tpu.memory_space<hbm>>
      %dma_wait3A_69 = tpu.memref_squeeze %dma_wait3A : memref<1x640xf32, #tpu.memory_space<hbm>> -> memref<640xf32, #tpu.memory_space<hbm>>
      %dma_wait3A_70 = tpu.memref_slice %arg8[%mul3A_64] : memref<10240xf32, #tpu.memory_space<vmem_shared>> -> memref<640xf32, #tpu.memory_space<vmem_shared>>
      tpu.wait_dma2 semaphore(%run_scoped3A : memref<!tpu.dma_semaphore, #tpu.memory_space<semaphore_mem>>) src(%dma_wait3A_70 : memref<640xf32, #tpu.memory_space<vmem_shared>>) dst(%dma_wait3A_69 : memref<640xf32, #tpu.memory_space<hbm>>)
      tpu.yield
    }) : () -> ()
    return
  }
}

module attributes {stable_mosaic.version = 14 : i64} {
  func.func @_prep_body(%arg0: i32, %arg1: memref<2x2000x1xf32, #tpu.memory_space<vmem>>, %arg2: memref<2000x128xf32, #tpu.memory_space<vmem>>, %arg3: memref<2000x128xf32, #tpu.memory_space<vmem>>, %arg4: memref<2000x1xf32, #tpu.memory_space<vmem>>) attributes {dimension_semantics = [#tpu.dimension_semantics<arbitrary>], iteration_bounds = array<i64: 5>, scalar_prefetch = 0 : i64, scratch_operands = 0 : i64, tpu.core_type = #tpu.core_type<tc>, window_params = [{transform_indices = @transform_0, window_bounds = array<i64: 2, 2000, 1>}, {transform_indices = @transform_1, window_bounds = array<i64: 2000, 128>}, {transform_indices = @transform_2, window_bounds = array<i64: 2000, 128>}, {transform_indices = @transform_3, window_bounds = array<i64: 2000, 1>}]} {
    %get3A = arith.constant 0 : index
    %get3A_0 = arith.constant 0 : index
    %get3A_1 = arith.constant 0 : index
    %get3A_2 = vector.load %arg1[%get3A, %get3A_0, %get3A_1] : memref<2x2000x1xf32, #tpu.memory_space<vmem>>, vector<2x2000x1xf32>
    %slice3A = vector.extract_strided_slice %get3A_2 {offsets = [0, 0, 0], sizes = [1, 2000, 1], strides = [1, 1, 1]} : vector<2x2000x1xf32> to vector<1x2000x1xf32>
    %squeeze3A = vector.shape_cast %slice3A : vector<1x2000x1xf32> to vector<2000x1xf32>
    %slice3A_3 = vector.extract_strided_slice %get3A_2 {offsets = [1, 0, 0], sizes = [1, 2000, 1], strides = [1, 1, 1]} : vector<2x2000x1xf32> to vector<1x2000x1xf32>
    %squeeze3A_4 = vector.shape_cast %slice3A_3 : vector<1x2000x1xf32> to vector<2000x1xf32>
    %add3A = arith.addf %squeeze3A, %squeeze3A_4 : vector<2000x1xf32>
    %add3A_5 = arith.constant 1.000000e+00 : f32
    %add3A_6 = vector.broadcast %add3A_5 : f32 to vector<2000x1xf32>
    %add3A_7 = arith.addf %add3A, %add3A_6 : vector<2000x1xf32>
    %rsqrt3A = math.rsqrt %add3A_7 : vector<2000x1xf32>
    %swap3A = arith.constant 0 : index
    %swap3A_8 = arith.constant 0 : index
    %swap3A_9 = vector.load %arg4[%swap3A, %swap3A_8] : memref<2000x1xf32, #tpu.memory_space<vmem>>, vector<2000x1xf32>
    tpu.vector_store %arg4[%swap3A, %swap3A_8], %rsqrt3A {strides = array<i32>} : memref<2000x1xf32, #tpu.memory_space<vmem>>, vector<2000x1xf32>,
    %get3A_10 = arith.constant 0 : index
    %get3A_11 = arith.constant 0 : index
    %get3A_12 = vector.load %arg2[%get3A_10, %get3A_11] : memref<2000x128xf32, #tpu.memory_space<vmem>>, vector<2000x128xf32>
    %mul3A = vector.broadcast %rsqrt3A : vector<2000x1xf32> to vector<2000x128xf32>
    %mul3A_13 = arith.mulf %get3A_12, %mul3A : vector<2000x128xf32>
    %swap3A_14 = arith.constant 0 : index
    %swap3A_15 = arith.constant 0 : index
    %swap3A_16 = vector.load %arg3[%swap3A_14, %swap3A_15] : memref<2000x128xf32, #tpu.memory_space<vmem>>, vector<2000x128xf32>
    tpu.vector_store %arg3[%swap3A_14, %swap3A_15], %mul3A_13 {strides = array<i32>} : memref<2000x128xf32, #tpu.memory_space<vmem>>, vector<2000x128xf32>,
    return
  }
  func.func @transform_0(%arg0: i32) -> (i32, i32, i32) {
    %c0_i32 = arith.constant 0 : i32
    %c0_i32_0 = arith.constant 0 : i32
    %c0_i32_1 = arith.constant 0 : i32
    return %c0_i32, %arg0, %c0_i32_0 : i32, i32, i32
  }
  func.func @transform_1(%arg0: i32) -> (i32, i32) {
    %c0_i32 = arith.constant 0 : i32
    %c0_i32_0 = arith.constant 0 : i32
    return %arg0, %c0_i32 : i32, i32
  }
  func.func @transform_2(%arg0: i32) -> (i32, i32) {
    %c0_i32 = arith.constant 0 : i32
    %c0_i32_0 = arith.constant 0 : i32
    return %arg0, %c0_i32 : i32, i32
  }
  func.func @transform_3(%arg0: i32) -> (i32, i32) {
    %c0_i32 = arith.constant 0 : i32
    %c0_i32_0 = arith.constant 0 : i32
    return %arg0, %c0_i32 : i32, i32
  }
}

module attributes {stable_mosaic.version = 14 : i64} {
  func.func @_dense_body(%arg0: i32, %arg1: memref<2x2000x128xf32, #tpu.memory_space<vmem>>, %arg2: memref<2000x128xf32, #tpu.memory_space<vmem>>, %arg3: memref<2000x1xf32, #tpu.memory_space<vmem>>, %arg4: memref<128x128xf32, #tpu.memory_space<vmem>>, %arg5: memref<1x128xf32, #tpu.memory_space<vmem>>, %arg6: memref<128x128xf32, #tpu.memory_space<vmem>>, %arg7: memref<1x128xf32, #tpu.memory_space<vmem>>, %arg8: memref<128x64xf32, #tpu.memory_space<vmem>>, %arg9: memref<1x64xf32, #tpu.memory_space<vmem>>, %arg10: memref<64x128xf32, #tpu.memory_space<vmem>>, %arg11: memref<1x128xf32, #tpu.memory_space<vmem>>, %arg12: memref<2000x128xf32, #tpu.memory_space<vmem>>) attributes {dimension_semantics = [#tpu.dimension_semantics<arbitrary>], iteration_bounds = array<i64: 5>, scalar_prefetch = 0 : i64, scratch_operands = 0 : i64, tpu.core_type = #tpu.core_type<tc>, window_params = [{transform_indices = @transform_0, window_bounds = array<i64: 2, 2000, 128>}, {transform_indices = @transform_1, window_bounds = array<i64: 2000, 128>}, {transform_indices = @transform_2, window_bounds = array<i64: 2000, 1>}, {pipeline_mode = #tpu.pipeline_mode<synchronous>, transform_indices = @transform_3, window_bounds = array<i64: 128, 128>}, {pipeline_mode = #tpu.pipeline_mode<synchronous>, transform_indices = @transform_4, window_bounds = array<i64: 1, 128>}, {pipeline_mode = #tpu.pipeline_mode<synchronous>, transform_indices = @transform_5, window_bounds = array<i64: 128, 128>}, {pipeline_mode = #tpu.pipeline_mode<synchronous>, transform_indices = @transform_6, window_bounds = array<i64: 1, 128>}, {pipeline_mode = #tpu.pipeline_mode<synchronous>, transform_indices = @transform_7, window_bounds = array<i64: 128, 64>}, {pipeline_mode = #tpu.pipeline_mode<synchronous>, transform_indices = @transform_8, window_bounds = array<i64: 1, 64>}, {pipeline_mode = #tpu.pipeline_mode<synchronous>, transform_indices = @transform_9, window_bounds = array<i64: 64, 128>}, {pipeline_mode = #tpu.pipeline_mode<synchronous>, transform_indices = @transform_10, window_bounds = array<i64: 1, 128>}, {transform_indices = @transform_11, window_bounds = array<i64: 2000, 128>}]} {
    %get3A = arith.constant 0 : index
    %get3A_0 = arith.constant 0 : index
    %get3A_1 = arith.constant 0 : index
    %get3A_2 = vector.load %arg1[%get3A, %get3A_0, %get3A_1] : memref<2x2000x128xf32, #tpu.memory_space<vmem>>, vector<2x2000x128xf32>
    %get3A_3 = arith.constant 0 : index
    %get3A_4 = arith.constant 0 : index
    %get3A_5 = vector.load %arg3[%get3A_3, %get3A_4] : memref<2000x1xf32, #tpu.memory_space<vmem>>, vector<2000x1xf32>
    %slice3A = vector.extract_strided_slice %get3A_2 {offsets = [0, 0, 0], sizes = [1, 2000, 128], strides = [1, 1, 1]} : vector<2x2000x128xf32> to vector<1x2000x128xf32>
    %squeeze3A = vector.shape_cast %slice3A : vector<1x2000x128xf32> to vector<2000x128xf32>
    %slice3A_6 = vector.extract_strided_slice %get3A_2 {offsets = [1, 0, 0], sizes = [1, 2000, 128], strides = [1, 1, 1]} : vector<2x2000x128xf32> to vector<1x2000x128xf32>
    %squeeze3A_7 = vector.shape_cast %slice3A_6 : vector<1x2000x128xf32> to vector<2000x128xf32>
    %add3A = arith.addf %squeeze3A, %squeeze3A_7 : vector<2000x128xf32>
    %get3A_8 = arith.constant 0 : index
    %get3A_9 = arith.constant 0 : index
    %get3A_10 = vector.load %arg2[%get3A_8, %get3A_9] : memref<2000x128xf32, #tpu.memory_space<vmem>>, vector<2000x128xf32>
    %add3A_11 = arith.addf %add3A, %get3A_10 : vector<2000x128xf32>
    %mul3A = vector.broadcast %get3A_5 : vector<2000x1xf32> to vector<2000x128xf32>
    %mul3A_12 = arith.mulf %mul3A, %add3A_11 : vector<2000x128xf32>
    %get3A_13 = arith.constant 0 : index
    %get3A_14 = arith.constant 0 : index
    %get3A_15 = vector.load %arg4[%get3A_13, %get3A_14] : memref<128x128xf32, #tpu.memory_space<vmem>>, vector<128x128xf32>
    %dot_general3A = arith.constant dense<0.000000e+00> : vector<2000x128xf32>
    %dot_general3A_16 = tpu.matmul %mul3A_12, %get3A_15, %dot_general3A {dimension_numbers = #tpu.dot_dimension_numbers<[1], [0], [0], [1], [0, 0, 1, 1], [], []>, transpose_lhs_hint = false} : vector<2000x128xf32>, vector<128x128xf32>, vector<2000x128xf32> -> vector<2000x128xf32>
    %get3A_17 = arith.constant 0 : index
    %get3A_18 = arith.constant 0 : index
    %get3A_19 = vector.load %arg5[%get3A_17, %get3A_18] : memref<1x128xf32, #tpu.memory_space<vmem>>, vector<1x128xf32>
    %add3A_20 = vector.broadcast %get3A_19 : vector<1x128xf32> to vector<2000x128xf32>
    %add3A_21 = arith.addf %dot_general3A_16, %add3A_20 : vector<2000x128xf32>
    %max3A = arith.constant 0.000000e+00 : f32
    %max3A_22 = vector.broadcast %max3A : f32 to vector<2000x128xf32>
    %max3A_23 = arith.maximumf %add3A_21, %max3A_22 : vector<2000x128xf32>
    %get3A_24 = arith.constant 0 : index
    %get3A_25 = arith.constant 0 : index
    %get3A_26 = vector.load %arg6[%get3A_24, %get3A_25] : memref<128x128xf32, #tpu.memory_space<vmem>>, vector<128x128xf32>
    %dot_general3A_27 = arith.constant dense<0.000000e+00> : vector<2000x128xf32>
    %dot_general3A_28 = tpu.matmul %mul3A_12, %get3A_26, %dot_general3A_27 {dimension_numbers = #tpu.dot_dimension_numbers<[1], [0], [0], [1], [0, 0, 1, 1], [], []>, transpose_lhs_hint = false} : vector<2000x128xf32>, vector<128x128xf32>, vector<2000x128xf32> -> vector<2000x128xf32>
    %get3A_29 = arith.constant 0 : index
    %get3A_30 = arith.constant 0 : index
    %get3A_31 = vector.load %arg7[%get3A_29, %get3A_30] : memref<1x128xf32, #tpu.memory_space<vmem>>, vector<1x128xf32>
    %add3A_32 = vector.broadcast %get3A_31 : vector<1x128xf32> to vector<2000x128xf32>
    %add3A_33 = arith.addf %dot_general3A_28, %add3A_32 : vector<2000x128xf32>
    %max3A_34 = arith.constant 0.000000e+00 : f32
    %max3A_35 = vector.broadcast %max3A_34 : f32 to vector<2000x128xf32>
    %max3A_36 = arith.maximumf %add3A_33, %max3A_35 : vector<2000x128xf32>
    %mul3A_37 = arith.constant 5.000000e-01 : f32
    %mul3A_38 = vector.broadcast %mul3A_37 : f32 to vector<2000x128xf32>
    %mul3A_39 = arith.mulf %mul3A_38, %max3A_23 : vector<2000x128xf32>
    %mul3A_40 = arith.constant 5.000000e-01 : f32
    %mul3A_41 = vector.broadcast %mul3A_40 : f32 to vector<2000x128xf32>
    %mul3A_42 = arith.mulf %mul3A_41, %max3A_36 : vector<2000x128xf32>
    %add3A_43 = arith.addf %mul3A_39, %mul3A_42 : vector<2000x128xf32>
    %get3A_44 = arith.constant 0 : index
    %get3A_45 = arith.constant 0 : index
    %get3A_46 = vector.load %arg8[%get3A_44, %get3A_45] : memref<128x64xf32, #tpu.memory_space<vmem>>, vector<128x64xf32>
    %dot_general3A_47 = arith.constant dense<0.000000e+00> : vector<2000x64xf32>
    %dot_general3A_48 = tpu.matmul %add3A_43, %get3A_46, %dot_general3A_47 {dimension_numbers = #tpu.dot_dimension_numbers<[1], [0], [0], [1], [0, 0, 1, 1], [], []>, transpose_lhs_hint = false} : vector<2000x128xf32>, vector<128x64xf32>, vector<2000x64xf32> -> vector<2000x64xf32>
    %get3A_49 = arith.constant 0 : index
    %get3A_50 = arith.constant 0 : index
    %get3A_51 = vector.load %arg9[%get3A_49, %get3A_50] : memref<1x64xf32, #tpu.memory_space<vmem>>, vector<1x64xf32>
    %add3A_52 = vector.broadcast %get3A_51 : vector<1x64xf32> to vector<2000x64xf32>
    %add3A_53 = arith.addf %dot_general3A_48, %add3A_52 : vector<2000x64xf32>
    %max3A_54 = arith.constant 0.000000e+00 : f32
    %max3A_55 = vector.broadcast %max3A_54 : f32 to vector<2000x64xf32>
    %max3A_56 = arith.maximumf %add3A_53, %max3A_55 : vector<2000x64xf32>
    %get3A_57 = arith.constant 0 : index
    %get3A_58 = arith.constant 0 : index
    %get3A_59 = vector.load %arg10[%get3A_57, %get3A_58] : memref<64x128xf32, #tpu.memory_space<vmem>>, vector<64x128xf32>
    %dot_general3A_60 = arith.constant dense<0.000000e+00> : vector<2000x128xf32>
    %dot_general3A_61 = tpu.matmul %max3A_56, %get3A_59, %dot_general3A_60 {dimension_numbers = #tpu.dot_dimension_numbers<[1], [0], [0], [1], [0, 0, 1, 1], [], []>, transpose_lhs_hint = false} : vector<2000x64xf32>, vector<64x128xf32>, vector<2000x128xf32> -> vector<2000x128xf32>
    %get3A_62 = arith.constant 0 : index
    %get3A_63 = arith.constant 0 : index
    %get3A_64 = vector.load %arg11[%get3A_62, %get3A_63] : memref<1x128xf32, #tpu.memory_space<vmem>>, vector<1x128xf32>
    %add3A_65 = vector.broadcast %get3A_64 : vector<1x128xf32> to vector<2000x128xf32>
    %add3A_66 = arith.addf %dot_general3A_61, %add3A_65 : vector<2000x128xf32>
    %swap3A = arith.constant 0 : index
    %swap3A_67 = arith.constant 0 : index
    %swap3A_68 = vector.load %arg12[%swap3A, %swap3A_67] : memref<2000x128xf32, #tpu.memory_space<vmem>>, vector<2000x128xf32>
    tpu.vector_store %arg12[%swap3A, %swap3A_67], %add3A_66 {strides = array<i32>} : memref<2000x128xf32, #tpu.memory_space<vmem>>, vector<2000x128xf32>,
    return
  }
  func.func @transform_0(%arg0: i32) -> (i32, i32, i32) {
    %c0_i32 = arith.constant 0 : i32
    %c0_i32_0 = arith.constant 0 : i32
    %c0_i32_1 = arith.constant 0 : i32
    return %c0_i32, %arg0, %c0_i32_0 : i32, i32, i32
  }
  func.func @transform_1(%arg0: i32) -> (i32, i32) {
    %c0_i32 = arith.constant 0 : i32
    %c0_i32_0 = arith.constant 0 : i32
    return %arg0, %c0_i32 : i32, i32
  }
  func.func @transform_2(%arg0: i32) -> (i32, i32) {
    %c0_i32 = arith.constant 0 : i32
    %c0_i32_0 = arith.constant 0 : i32
    return %arg0, %c0_i32 : i32, i32
  }
  func.func @transform_3(%arg0: i32) -> (i32, i32) {
    %c0_i32 = arith.constant 0 : i32
    %c0_i32_0 = arith.constant 0 : i32
    %c0_i32_1 = arith.constant 0 : i32
    return %c0_i32, %c0_i32_0 : i32, i32
  }
  func.func @transform_4(%arg0: i32) -> (i32, i32) {
    %c0_i32 = arith.constant 0 : i32
    %c0_i32_0 = arith.constant 0 : i32
    %c0_i32_1 = arith.constant 0 : i32
    return %c0_i32, %c0_i32_0 : i32, i32
  }
  func.func @transform_5(%arg0: i32) -> (i32, i32) {
    %c0_i32 = arith.constant 0 : i32
    %c0_i32_0 = arith.constant 0 : i32
    %c0_i32_1 = arith.constant 0 : i32
    return %c0_i32, %c0_i32_0 : i32, i32
  }
  func.func @transform_6(%arg0: i32) -> (i32, i32) {
    %c0_i32 = arith.constant 0 : i32
    %c0_i32_0 = arith.constant 0 : i32
    %c0_i32_1 = arith.constant 0 : i32
    return %c0_i32, %c0_i32_0 : i32, i32
  }
  func.func @transform_7(%arg0: i32) -> (i32, i32) {
    %c0_i32 = arith.constant 0 : i32
    %c0_i32_0 = arith.constant 0 : i32
    %c0_i32_1 = arith.constant 0 : i32
    return %c0_i32, %c0_i32_0 : i32, i32
  }
  func.func @transform_8(%arg0: i32) -> (i32, i32) {
    %c0_i32 = arith.constant 0 : i32
    %c0_i32_0 = arith.constant 0 : i32
    %c0_i32_1 = arith.constant 0 : i32
    return %c0_i32, %c0_i32_0 : i32, i32
  }
  func.func @transform_9(%arg0: i32) -> (i32, i32) {
    %c0_i32 = arith.constant 0 : i32
    %c0_i32_0 = arith.constant 0 : i32
    %c0_i32_1 = arith.constant 0 : i32
    return %c0_i32, %c0_i32_0 : i32, i32
  }
  func.func @transform_10(%arg0: i32) -> (i32, i32) {
    %c0_i32 = arith.constant 0 : i32
    %c0_i32_0 = arith.constant 0 : i32
    %c0_i32_1 = arith.constant 0 : i32
    return %c0_i32, %c0_i32_0 : i32, i32
  }
  func.func @transform_11(%arg0: i32) -> (i32, i32) {
    %c0_i32 = arith.constant 0 : i32
    %c0_i32_0 = arith.constant 0 : i32
    return %arg0, %c0_i32 : i32, i32
  }
}

</mosaic_0001>

<sc_bundles>
// kernel: kernel.6.cloned.1.call-start
scs
__scs_entry_jumppad:
0x0: {  	(pc) =	sbr.rel $0x88, $3  }
0x1: {  	(tag) =	ssettag $0x0;
	lr =	simm.s32 $0x1  }
0x2: {  	[smem:$0x3F97] =	sst lr;
	_ =	strace $0xD0000000  }
0x3: {  	_ = 	snop  }
0x4: {  	_ = 	snop  }
0x5: {  	_ = 	snop  }
0x6: {  	_ = 	snop  }
0x7: {  	_ = 	snop  }
__scs_overlays_trampoline_lowered:
0x8: {  	[smem:$0x3FA6] =	sst s0  }
0x9: {  	[smem:$0x3FA7] =	sst s1  }
0xa: {  	[smem:$0x3FA8] =	sst s2  }
0xb: {  	[smem:$0x3FA9] =	sst s3  }
0xc: {  	[smem:$0x3FAA] =	sst s4  }
0xd: {  	[smem:$0x3FAB] =	sst s5  }
0xe: {  	[smem:$0x3FAC] =	sst s6  }
0xf: {  	[smem:$0x3FAD] =	sst s7  }
0x10: {  	[smem:$0x3FAE] =	sst s8  }
0x11: {  	[smem:$0x3FAF] =	sst s9;
	s0 =	simm.s32 @!p0 $0x0  }
0x12: {  	s1 =	sld [smem:$0x3F95];
	s0 =	simm.s32 @p0 $0x1  }
0x13: {  	[smem:$0x3FB0] =	sst s0;
	s0 =	simm.s32 @!p1 $0x0  }
0x14: {  	s2 =	sld [smem:$0x3F94];
	s0 =	simm.s32 @p1 $0x1  }
0x15: {  	[smem:$0x3FB1] =	sst s0;
	s0 =	simm.s32 @!p2 $0x0  }
0x16: {  	s3 =	sld [smem:$0x3FDB];
	s0 =	simm.s32 @p2 $0x1  }
0x17: {  	s4 =	simm.s32 $0x1BF5;
	[smem:$0x3FB3] =	sst s0  }
0x18: {  	s0 =	sld [smem:$0x3F96];
	_ =	swait.ge [sflag:s4], $0x0  }
0x19: {  	s7 =	sld [smem:$0x3F97]  }
0x1a: {  	s8 =	sadd.s32 $0xFFFFE003, lr  }
0x1b: {  	s9 =	sadd.s32 $0xFFFFFEF7, lr;
	s5 =	simm.s32 $0xFFFFFFFF;
	p2 =	slt.u32 s8, $0xFFFFF086  }
0x1c: {  	p1 =	slt.u32 s9, $0xF7A;
	s5 =	simm.s32 @!p2 $0x0  }
0x1d: {  	s5 =	simm.s32 @p1 $0x1;
	p0 =	seq.s32 s7, s2  }
0x1e: {  	s7 =	smul.u32 @!p0 $0xF7A, s2;
	p2 =	seq.s32 @!p0 s5, $0x0  }
0x1f: {  	s9 =	smul.u32 $0xF7A, s1;
	s8 =	simm.s32 @!p0 $0x1BF5;
	p2 =	por !p2, p0  }
0x20: {  	[sflag:s8] =	ssyncset.s32 @!p0 $0xFFFFF086;
	s6 =	sadd.s32 @!p0 s3, s7;
	s7 =	simm.s32 @!p0 $0x108  }
0x21: {  	s3 =	sadd.s32 s3, s9;
	s6 =	sadd.s32 @!p0 $0x88, s6;
	s7 =	simm.s32 @p2 $0x1082  }
0x22: {  	[simem:s7], [sflag:s8] =	dma.local @!p0 [hbm:s6], $0xF7A  }
0x23: {  	s9 =	sor.u32 $0xD0000000, s2;
	s6 =	simm.s32 $0x108;
	_ =	swait.ge @!p0 [sflag:s8], $0x0  }
0x24: {  	s3 =	sadd.s32 $0x88, s3;
	s6 =	simm.s32 @!p1 $0x1082;
	[sflag:s4] =	ssyncset.s32 $0xFFFFF086  }
0x25: {  	[simem:s6], [sflag:s4] =	dma.local [hbm:s3], $0xF7A  }
0x26: {  	[smem:$0x3F97] =	sst s1;
	(tag) =	ssettag s2;
	_ =	strace s9  }
0x27: {  	s1 =	sld [smem:$0x3FA7]  }
0x28: {  	s2 =	sld [smem:$0x3FA8]  }
0x29: {  	s4 =	sld [smem:$0x3FAA]  }
0x2a: {  	p0 =	seq.s32 s5, $0x0;
	s5 =	sld [smem:$0x3FAB]  }
0x2b: {  	s6 =	sld [smem:$0x3FAC]  }
0x2c: {  	s7 =	sld [smem:$0x3FAD]  }
0x2d: {  	s3 =	simm.s32 $0x108;
	s8 =	sld [smem:$0x3FAE]  }
0x2e: {  	s3 =	simm.s32 @!p0 $0x1082;
	s9 =	sld [smem:$0x3FAF]  }
0x2f: {  	lr =	sadd.s32 s0, s3;
	s0 =	sld [smem:$0x3FA6]  }
0x30: {  	s3 =	sld [smem:$0x3FA9]  }
0x31: {  	[smem:$0x3FB2] =	sst s10  }
0x32: {  	s10 =	sld [smem:$0x3FB0];
	_ =	sdelay $0x3  }
0x33: {  	p0 =	seq.s32 s10, $0x1;
	s10 =	sld [smem:$0x3FB2];
	_ =	sdelay $0x3  }
0x34: {  	[smem:$0x3FB2] =	sst s10  }
0x35: {  	s10 =	sld [smem:$0x3FB1];
	_ =	sdelay $0x3  }
0x36: {  	p1 =	seq.s32 s10, $0x1;
	s10 =	sld [smem:$0x3FB2];
	_ =	sdelay $0x3  }
0x37: {  	[smem:$0x3FB2] =	sst s10  }
0x38: {  	s10 =	sld [smem:$0x3FB3]  }
0x39: {  	_ = 	snop;
	(pc) =	sbr.ind lr, $3  }
0x3a: {  	_ = 	snop  }
0x3b: {  	_ = 	snop  }
0x3c: {  	p2 =	seq.s32 s10, $0x1;
	s10 =	sld [smem:$0x3FB2]  }
0x3d: {  	_ =	shalt  }
0x3e: {  	_ =	shalt  }
0x3f: {  	_ =	shalt  }
0x40: {  	_ =	shalt  }
0x41: {  	_ =	shalt  }
0x42: {  	_ =	shalt  }
0x43: {  	_ =	shalt  }
0x44: {  	_ =	shalt  }
0x45: {  	_ =	shalt  }
0x46: {  	_ =	shalt  }
0x47: {  	_ =	shalt  }
0x48: {  	_ =	shalt  }
0x49: {  	_ =	shalt  }
0x4a: {  	_ =	shalt  }
0x4b: {  	_ =	shalt  }
0x4c: {  	_ =	shalt  }
0x4d: {  	_ =	shalt  }
0x4e: {  	_ =	shalt  }
0x4f: {  	_ =	shalt  }
0x50: {  	_ =	shalt  }
0x51: {  	_ =	shalt  }
0x52: {  	_ =	shalt  }
0x53: {  	_ =	shalt  }
0x54: {  	_ =	shalt  }
0x55: {  	_ =	shalt  }
0x56: {  	_ =	shalt  }
0x57: {  	_ =	shalt  }
0x58: {  	_ =	shalt  }
0x59: {  	_ =	shalt  }
0x5a: {  	_ =	shalt  }
0x5b: {  	_ =	shalt  }
0x5c: {  	_ =	shalt  }
0x5d: {  	_ =	shalt  }
0x5e: {  	_ =	shalt  }
0x5f: {  	_ =	shalt  }
0x60: {  	_ =	shalt  }
0x61: {  	_ =	shalt  }
0x62: {  	_ =	shalt  }
0x63: {  	_ =	shalt  }
0x64: {  	_ =	shalt  }
0x65: {  	_ =	shalt  }
0x66: {  	_ =	shalt  }
0x67: {  	_ =	shalt  }
0x68: {  	_ =	shalt  }
0x69: {  	_ =	shalt  }
0x6a: {  	_ =	shalt  }
0x6b: {  	_ =	shalt  }
0x6c: {  	_ =	shalt  }
0x6d: {  	_ =	shalt  }
0x6e: {  	_ =	shalt  }
0x6f: {  	_ =	shalt  }
0x70: {  	_ =	shalt  }
0x71: {  	_ =	shalt  }
0x72: {  	_ =	shalt  }
0x73: {  	_ =	shalt  }
0x74: {  	_ =	shalt  }
0x75: {  	_ =	shalt  }
0x76: {  	_ =	shalt  }
0x77: {  	_ =	shalt  }
0x78: {  	_ =	shalt  }
0x79: {  	_ =	shalt  }
0x7a: {  	_ =	shalt  }
0x7b: {  	_ =	shalt  }
0x7c: {  	_ =	shalt  }
0x7d: {  	_ =	shalt  }
0x7e: {  	_ =	shalt  }
0x7f: {  	_ =	shalt  }
0x80: {  	_ =	shalt  }
0x81: {  	_ =	shalt  }
0x82: {  	_ =	shalt  }
0x83: {  	_ =	shalt  }
0x84: {  	_ =	shalt  }
0x85: {  	_ =	shalt  }
0x86: {  	_ =	shalt  }
0x87: {  	_ =	shalt  }
.Lfunc_end0:
.L_simem_size_0:
called_computation_lowered:
.L_overlay_start_0:
0x88: {  	s2 =	sld [smem:$0x3FD9]  }
0x89: {  	s3 =	sld [smem:$0x3FFE];
	_ =	sdelay $0x1  }
0x8a: {  	s1 =	srdreg.scid  }
0x8b: {  	s0 =	sand.u32 $0x1, s1  }
0x8c: {  	s16 =	sshll.u32 s0, $0xA;
	s2 =	sadd.s32 s3, s2  }
0x8d: {  	s2 =	sadd.s32 s2, s16  }
0x8e: {  	[smem:$0x3FBE] =	sst s2  }
0x8f: {  	_ = 	snop  }
0x90: {  	(tm) =	ssettm $0x1  }
0x91: {  	s17 =	sld [smem:$0x3FFB];
	_ =	sdelay $0x3  }
0x92: {  	_ =	strace s17  }
0x93: {  	s2 =	sld [smem:$0x3FFC];
	_ =	sdelay $0x3  }
0x94: {  	_ =	strace s2  }
0x95: {  	s2 =	sld [smem:$0x3FFD];
	_ =	sdelay $0x3  }
0x96: {  	_ =	strace s2  }
0x97: {  	_ =	strace $0x8FFFFFFF  }
0x98: {  	s18 =	sld [smem:$0x3FDB];
	_ =	sdelay $0x1  }
0x99: {  	s19 =	simm.s32 $_scs_section_size  }
0x9a: {  	s4 =	simm.s32 $_size__tile_overlayer_lowered;
	s5 =	simm.s32 $_tile_overlayer_lowered  }
0x9b: {  	s22 =	simm.s32 $0x1BFF;
	s21 =	sshll.u32 s5, $0x1;
	s2 =	sadd.s32 s19, s18  }
0x9c: {  	s6 =	simm.s32 $0x0;
	s20 =	sshll.u32 s4, $0x1;
	s4 =	sadd.s32 s21, s2  }
0x9d: {  	[timem:s6], [sflag:s22] =	dma.local [hbm:s4], s20  }
0x9e: {  	_ =	swait.ge [sflag:s22], s20  }
0x9f: {  	s3 =	ssub.s32 $0x0, s20;
	[sflag:s22] =	ssyncset.done $0x0  }
0xa0: {  	[sflag:s22] =	ssyncadd.s32 s3;
	_ =	sdelay $0x1  }
0xa1: {  	s23 =	simm.s32 $0x1B8B  }
0xa2: {  	_ =	swait.ge [sflag:s23], $0x1  }
0xa3: {  	[sflag:s23] =	ssyncset.done $0x0  }
0xa4: {  	s25 =	simm.s32 $0x1B8E;
	s24 =	sld [smem:$0x3FFE];
	[sflag:s23] =	ssyncadd.s32 $0xFFFFFFFF  }
0xa5: {  	s26 =	simm.s32 $execute0_lowered;
	[smem:$0x3FD2] =	sst s25  }
0xa6: {  	s4 =	sshll.u32 s26, $0x1;
	_ =	strace $0x80000046;
	[dreg:$0x1] =	wrdreg $0xFFFFFFFF  }
0xa7: {  	s28 =	simm.s32 $_size_execute0_lowered;
	s2 =	sadd.s32 s2, s4;
	[dreg:$0x0] =	wrdreg $0x0  }
0xa8: {  	s4 =	sshll.u32 s28, $0x1;
	[dreg:$0x2] =	wrdreg s2  }
0xa9: {  	[dreg:$0x3] =	wrdreg s4  }
0xaa: {  	[dreg:$0x4] =	wrdreg $0xC0  }
0xab: {  	_ =	task [dreg:s6], $0x5FFFF  }
0xac: {  	[dreg:$0x1] =	wrdreg $0xFFFFFFFF  }
0xad: {  	[dreg:$0x0] =	wrdreg $0x60  }
0xae: {  	[dreg:$0x2] =	wrdreg s24  }
0xaf: {  	[dreg:$0x3] =	wrdreg $0x2B000  }
0xb0: {  	[dreg:$0x4] =	wrdreg $0x9  }
0xb1: {  	_ =	task.clear_ibuf [dreg:s6], $0x5FFFF;
	_ =	strace $0x90000046  }
0xb2: {  	s29 =	simm.s32 $0x9;
	_ =	strace $0x80000048  }
0xb3: {  	_ =	swait.ge [sflag:s29], $0x1  }
0xb4: {  	[sflag:s29] =	ssyncadd.s32 $0xFFFFFFFF  }
0xb5: {  	_ =	strace $0x90000048  }
0xb6: {  	_ =	sfence  }
0xb7: {  	s30 =	sld [smem:$0x0];
	_ =	sdelay $0x2  }
0xb8: {  	s31 =	sshll.u32 s1, $0xD;
	s1 =	sshrl.u32 s1, $0x2  }
0xb9: {  	s3 =	sand.u32 $0x4000, s31;
	s1 =	sadd.s32 s1, s30  }
0xba: {  	s0 =	sor.u32 s3, s0;
	s1 =	sshll.u32 s1, $0x11  }
0xbb: {  	s0 =	sor.u32 s1, s0  }
0xbc: {  	s0 =	sadd.s32 $0x8F2B, s0  }
0xbd: {  	[sflag:s0] =	ssyncadd.remote.s32 $0x1  }
0xbe: {  	_ =	sfence.sel $0xFFFF  }
0xbf: {  	[dreg:$0x0] =	wrdreg $0xFFFFFFFF;
	(pc) =	sbr.abs _section_cstart, $3  }
0xc0: {  	[dreg:$0x1] =	wrdreg $0xFFFFFFFF  }
0xc1: {  	_ =	task.clear_ibuf [dreg:s6], $0x2FFFF;
	_ =	strace $0x9FFFFFFF  }
0xc2: {  	(tm) =	ssettm $0x7FFFFFFF  }
0xc3: {  	_ =	shalt  }
tec
execute0_lowered:
.L_overlay_start_1:
0x0: {  	(tag) =	ssettag $0x1  }
0x1: {  	s4 =	rddreg [dreg:$0x0]  }
0x2: {  	s2 =	rddreg [dreg:$0x1]  }
0x3: {  	s0 =	rddreg [dreg:$0x2]  }
0x4: {  	s5 =	srdreg.scid;
	s1 =	stileid.u32  }
0x5: {  	s3 =	simm.s32 $0x0;
	s10 =	simm.s32 $0x80;
	s11 =	simm.s32 $0x2800  }
0x6: {  	s12 =	simm.s32 $0x1;
	s15 =	simm.s32 $0x20;
	s16 =	simm.s32 $0x10  }
0x7: {  	s17 =	simm.s32 $0x0;
	s5 =	sand.u32 $0x1, s5;
	s7 =	smul.u32 $0x500, s1  }
0x8: {  	s6 =	sshll.u32 s1, $0x1;
	[smem:$0x7FF] =	sst s3;
	s30 =	smul.u32 $0xA00, s1  }
0x9: {  	s13 =	sshll.u32 s1, $0x6;
	s6 =	sor.u32 s5, s6;
	_ =	strace $0x80000047  }
0xa: {  	s8 =	sshll.u32 s5, $0x7;
	s5 =	ssub.s32 $0x2, s5;
	s13 =	sor.u32 $0x1C02, s13  }
0xb: {  	s6 =	smul.u32 $0x500, s6;
	s7 =	sor.u32 s8, s7;
	s9 =	sshrl.u32 s5, $0x1  }
0xc: {  	s31 =	sshrl.u32 s30, $0x2;
	s8 =	simm.s32 $0x2880;
	s7 =	sshrl.u32 s7, $0x3  }
0xd: {  	s9 =	ssub.s32 s5, s9;
	s6 =	sadd.s32 s6, s4;
	s7 =	sadd.s32 s7, s4  }
0xe: {  	s4 =	sadd.s32 s31, s2;
	s5 =	sadd.s32 $0x1A00, s6;
	s6 =	sadd.s32 $0xBA00, s7  }
0xf: {  	v0 =	vimm.f32 $0.0e+00;
	v1 =	vimm.f32 $1.000000000e+00;
	s7 =	smax.u32 s9, $0x1;
	s9 =	simm.s32 $0x2;
	s14 =	sshrl.u32 s4, $0x3  }
.LBB2_1:
0x10: {  	[tilespmem:$0x2880] =	vst v0  }
0x11: {  	[tilespmem:$0x2890] =	vst v0  }
0x12: {  	[tilespmem:$0x28A0] =	vst v0  }
0x13: {  	[tilespmem:$0x28B0] =	vst v0  }
0x14: {  	[tilespmem:$0x28C0] =	vst v0  }
0x15: {  	[tilespmem:$0x28D0] =	vst v0  }
0x16: {  	[tilespmem:$0x28E0] =	vst v0  }
0x17: {  	[tilespmem:$0x28F0] =	vst v0  }
0x18: {  	[tilespmem:$0x2900] =	vst v0  }
0x19: {  	[tilespmem:$0x2910] =	vst v0  }
0x1a: {  	[tilespmem:$0x2920] =	vst v0  }
0x1b: {  	[tilespmem:$0x2930] =	vst v0  }
0x1c: {  	[tilespmem:$0x2940] =	vst v0  }
0x1d: {  	[tilespmem:$0x2950] =	vst v0  }
0x1e: {  	[tilespmem:$0x2960] =	vst v0  }
0x1f: {  	[tilespmem:$0x2970] =	vst v0  }
0x20: {  	[tilespmem:$0x2980] =	vst v0  }
0x21: {  	[tilespmem:$0x2990] =	vst v0  }
0x22: {  	[tilespmem:$0x29A0] =	vst v0  }
0x23: {  	[tilespmem:$0x29B0] =	vst v0  }
0x24: {  	[tilespmem:$0x29C0] =	vst v0  }
0x25: {  	[tilespmem:$0x29D0] =	vst v0  }
0x26: {  	[tilespmem:$0x29E0] =	vst v0  }
0x27: {  	[tilespmem:$0x29F0] =	vst v0  }
0x28: {  	[tilespmem:$0x2A00] =	vst v0  }
0x29: {  	[tilespmem:$0x2A10] =	vst v0  }
0x2a: {  	[tilespmem:$0x2A20] =	vst v0  }
0x2b: {  	[tilespmem:$0x2A30] =	vst v0  }
0x2c: {  	[tilespmem:$0x2A40] =	vst v0  }
0x2d: {  	[tilespmem:$0x2A50] =	vst v0  }
0x2e: {  	[tilespmem:$0x2A60] =	vst v0  }
0x2f: {  	[tilespmem:$0x2A70] =	vst v0  }
0x30: {  	[tilespmem:$0x2A80] =	vst v0  }
0x31: {  	[tilespmem:$0x2A90] =	vst v0  }
0x32: {  	[tilespmem:$0x2AA0] =	vst v0  }
0x33: {  	[tilespmem:$0x2AB0] =	vst v0  }
0x34: {  	[tilespmem:$0x2AC0] =	vst v0  }
0x35: {  	[tilespmem:$0x2AD0] =	vst v0  }
0x36: {  	[tilespmem:$0x2AE0] =	vst v0  }
0x37: {  	[tilespmem:$0x2AF0] =	vst v0  }
0x38: {  	[tilespmem:$0x2800] =	vst v1  }
0x39: {  	[tilespmem:$0x2810] =	vst v1  }
0x3a: {  	[tilespmem:$0x2820] =	vst v1  }
0x3b: {  	[tilespmem:$0x2830] =	vst v1  }
0x3c: {  	[tilespmem:$0x2840] =	vst v1  }
0x3d: {  	[tilespmem:$0x2850] =	vst v1  }
0x3e: {  	[tilespmem:$0x2860] =	vst v1  }
0x3f: {  	[tilespmem:$0x2870] =	vst v1  }
0x40: {  	[spmem:s4] =	stream.linear.scatter [tilespmem:s8], [sflag:$0x2], $0x280, $0x38;
	[tilespmem:$0x2D80] =	vst v63  }
0x41: {  	_ =	swait.ge [sflag:s9], $0x280  }
0x42: {  	[sflag:s9] =	ssyncset.done $0x0  }
0x43: {  	[sflag:s9] =	ssyncadd.s32 $0xFFFFFD80  }
0x44: {  	[tilespmem:s3], [sflag:$0x2] =	stream.linear.gather [hbm4b:s5+s3], $0x2800, $0x38;
	[tilespmem:$0x2D80] =	vst v63  }
0x45: {  	_ =	swait.ge [sflag:s9], $0x2800  }
0x46: {  	[sflag:s9] =	ssyncset.done $0x0  }
0x47: {  	[sflag:s9] =	ssyncadd.s32 $0xFFFFD800  }
0x48: {  	s18 =	simm.s32 $0x0;
	[bflag:$0x0] =	sbarrier.arrive $0xFFFF  }
0x49: {  	[spmem:s2] =	stream.indirect.scatter.add.f32 [tilespmem:s11], [sflag:$0x1], $0x1, s18, s10, $0xb8;
	[tilespmem:$0x2D80] =	vst v63  }
0x4a: {  	s29 =	simm.s32 $0x80  }
0x4b: {  	[spmem:s2] =	stream.indirect.scatter.add.f32 [tilespmem:s11], [sflag:$0x1], $0x1, s29, s10, $0xb8;
	[tilespmem:$0x2D80] =	vst v63  }
0x4c: {  	s30 =	simm.s32 $0x100  }
0x4d: {  	[spmem:s2] =	stream.indirect.scatter.add.f32 [tilespmem:s11], [sflag:$0x1], $0x1, s30, s10, $0xb8;
	[tilespmem:$0x2D80] =	vst v63  }
0x4e: {  	s31 =	simm.s32 $0x180  }
0x4f: {  	[spmem:s2] =	stream.indirect.scatter.add.f32 [tilespmem:s11], [sflag:$0x1], $0x1, s31, s10, $0xb8;
	[tilespmem:$0x2D80] =	vst v63  }
0x50: {  	s19 =	simm.s32 $0x200  }
0x51: {  	[spmem:s2] =	stream.indirect.scatter.add.f32 [tilespmem:s11], [sflag:$0x1], $0x1, s19, s10, $0xb8;
	[tilespmem:$0x2D80] =	vst v63  }
0x52: {  	s20 =	simm.s32 $0x280  }
0x53: {  	[spmem:s2] =	stream.indirect.scatter.add.f32 [tilespmem:s11], [sflag:$0x1], $0x1, s20, s10, $0xb8;
	[tilespmem:$0x2D80] =	vst v63  }
0x54: {  	s21 =	simm.s32 $0x300  }
0x55: {  	[spmem:s2] =	stream.indirect.scatter.add.f32 [tilespmem:s11], [sflag:$0x1], $0x1, s21, s10, $0xb8;
	[tilespmem:$0x2D80] =	vst v63  }
0x56: {  	s22 =	simm.s32 $0x380  }
0x57: {  	[spmem:s2] =	stream.indirect.scatter.add.f32 [tilespmem:s11], [sflag:$0x1], $0x1, s22, s10, $0xb8;
	[tilespmem:$0x2D80] =	vst v63  }
0x58: {  	s23 =	simm.s32 $0x400  }
0x59: {  	[spmem:s2] =	stream.indirect.scatter.add.f32 [tilespmem:s11], [sflag:$0x1], $0x1, s23, s10, $0xb8;
	[tilespmem:$0x2D80] =	vst v63  }
0x5a: {  	s24 =	simm.s32 $0x480  }
0x5b: {  	[spmem:s2] =	stream.indirect.scatter.add.f32 [tilespmem:s11], [sflag:$0x1], $0x1, s24, s10, $0xb8;
	[tilespmem:$0x2D80] =	vst v63  }
0x5c: {  	s25 =	simm.s32 $0x500  }
0x5d: {  	[spmem:s2] =	stream.indirect.scatter.add.f32 [tilespmem:s11], [sflag:$0x1], $0x1, s25, s10, $0xb8;
	[tilespmem:$0x2D80] =	vst v63  }
0x5e: {  	s26 =	simm.s32 $0x580  }
0x5f: {  	[spmem:s2] =	stream.indirect.scatter.add.f32 [tilespmem:s11], [sflag:$0x1], $0x1, s26, s10, $0xb8;
	[tilespmem:$0x2D80] =	vst v63  }
0x60: {  	s28 =	simm.s32 $0x600  }
0x61: {  	[spmem:s2] =	stream.indirect.scatter.add.f32 [tilespmem:s11], [sflag:$0x1], $0x1, s28, s10, $0xb8;
	[tilespmem:$0x2D80] =	vst v63  }
0x62: {  	s29 =	simm.s32 $0x680  }
0x63: {  	[spmem:s2] =	stream.indirect.scatter.add.f32 [tilespmem:s11], [sflag:$0x1], $0x1, s29, s10, $0xb8;
	[tilespmem:$0x2D80] =	vst v63  }
0x64: {  	s30 =	simm.s32 $0x700  }
0x65: {  	[spmem:s2] =	stream.indirect.scatter.add.f32 [tilespmem:s11], [sflag:$0x1], $0x1, s30, s10, $0xb8;
	[tilespmem:$0x2D80] =	vst v63  }
0x66: {  	s31 =	simm.s32 $0x780  }
0x67: {  	[spmem:s2] =	stream.indirect.scatter.add.f32 [tilespmem:s11], [sflag:$0x1], $0x1, s31, s10, $0xb8;
	[tilespmem:$0x2D80] =	vst v63  }
0x68: {  	_ =	swait.ge [sflag:s12], $0x80  }
0x69: {  	[sflag:s12] =	ssyncset.done $0x0  }
0x6a: {  	[sflag:s12] =	ssyncadd.s32 $0xFFFFFF80  }
0x6b: {  	_ =	swait.ge [sflag:s12], $0x80  }
0x6c: {  	[sflag:s12] =	ssyncset.done $0x0  }
0x6d: {  	[sflag:s12] =	ssyncadd.s32 $0xFFFFFF80  }
0x6e: {  	_ =	swait.ge [sflag:s12], $0x80  }
0x6f: {  	[sflag:s12] =	ssyncset.done $0x0  }
0x70: {  	[sflag:s12] =	ssyncadd.s32 $0xFFFFFF80  }
0x71: {  	_ =	swait.ge [sflag:s12], $0x80  }
0x72: {  	[sflag:s12] =	ssyncset.done $0x0  }
0x73: {  	[sflag:s12] =	ssyncadd.s32 $0xFFFFFF80  }
0x74: {  	_ =	swait.ge [sflag:s12], $0x80  }
0x75: {  	[sflag:s12] =	ssyncset.done $0x0  }
0x76: {  	[sflag:s12] =	ssyncadd.s32 $0xFFFFFF80  }
0x77: {  	_ =	swait.ge [sflag:s12], $0x80  }
0x78: {  	[sflag:s12] =	ssyncset.done $0x0  }
0x79: {  	[sflag:s12] =	ssyncadd.s32 $0xFFFFFF80  }
0x7a: {  	_ =	swait.ge [sflag:s12], $0x80  }
0x7b: {  	[sflag:s12] =	ssyncset.done $0x0  }
0x7c: {  	[sflag:s12] =	ssyncadd.s32 $0xFFFFFF80  }
0x7d: {  	_ =	swait.ge [sflag:s12], $0x80  }
0x7e: {  	[sflag:s12] =	ssyncset.done $0x0  }
0x7f: {  	[sflag:s12] =	ssyncadd.s32 $0xFFFFFF80  }
0x80: {  	_ =	swait.ge [sflag:s12], $0x80  }
0x81: {  	[sflag:s12] =	ssyncset.done $0x0  }
0x82: {  	[sflag:s12] =	ssyncadd.s32 $0xFFFFFF80  }
0x83: {  	_ =	swait.ge [sflag:s12], $0x80  }
0x84: {  	[sflag:s12] =	ssyncset.done $0x0  }
0x85: {  	[sflag:s12] =	ssyncadd.s32 $0xFFFFFF80  }
0x86: {  	_ =	swait.ge [sflag:s12], $0x80  }
0x87: {  	[sflag:s12] =	ssyncset.done $0x0  }
0x88: {  	[sflag:s12] =	ssyncadd.s32 $0xFFFFFF80  }
0x89: {  	_ =	swait.ge [sflag:s12], $0x80  }
0x8a: {  	[sflag:s12] =	ssyncset.done $0x0  }
0x8b: {  	[sflag:s12] =	ssyncadd.s32 $0xFFFFFF80  }
0x8c: {  	_ =	swait.ge [sflag:s12], $0x80  }
0x8d: {  	[sflag:s12] =	ssyncset.done $0x0  }
0x8e: {  	[sflag:s12] =	ssyncadd.s32 $0xFFFFFF80  }
0x8f: {  	_ =	swait.ge [sflag:s12], $0x80  }
0x90: {  	[sflag:s12] =	ssyncset.done $0x0  }
0x91: {  	[sflag:s12] =	ssyncadd.s32 $0xFFFFFF80  }
0x92: {  	_ =	swait.ge [sflag:s12], $0x80  }
0x93: {  	[sflag:s12] =	ssyncset.done $0x0  }
0x94: {  	[sflag:s12] =	ssyncadd.s32 $0xFFFFFF80  }
0x95: {  	_ =	swait.ge [sflag:s12], $0x80  }
0x96: {  	s18 =	simm.s32 $0x2000;
	s21 =	simm.s32 $0x4000;
	[sflag:s12] =	ssyncset.done $0x0  }
.LBB2_2:
0x97: {  	s20 =	sshra.s32 s18, $0x2  }
0x98: {  	[sflag:s12] =	ssyncadd.s32 $0xFFFFFF80;
	s18 =	smov.u32 s21;
	s19 =	sadd.s32 $0x2000, s21  }
0x99: {  	[spmem:s2] =	stream.indirect.scatter.add.f32 [tilespmem:s11], [sflag:$0x1], $0x1, s20, s10, $0xb8;
	[tilespmem:$0x2D80] =	vst v63  }
0x9a: {  	p0 =	sne.s32 s21, $0x8000;
	s21 =	sadd.s32 $0x80, s20  }
0x9b: {  	[spmem:s2] =	stream.indirect.scatter.add.f32 [tilespmem:s11], [sflag:$0x1], $0x1, s21, s10, $0xb8;
	[tilespmem:$0x2D80] =	vst v63  }
0x9c: {  	s21 =	sadd.s32 $0x100, s20  }
0x9d: {  	[spmem:s2] =	stream.indirect.scatter.add.f32 [tilespmem:s11], [sflag:$0x1], $0x1, s21, s10, $0xb8;
	[tilespmem:$0x2D80] =	vst v63  }
0x9e: {  	s21 =	sadd.s32 $0x180, s20  }
0x9f: {  	[spmem:s2] =	stream.indirect.scatter.add.f32 [tilespmem:s11], [sflag:$0x1], $0x1, s21, s10, $0xb8;
	[tilespmem:$0x2D80] =	vst v63  }
0xa0: {  	s21 =	sadd.s32 $0x200, s20  }
0xa1: {  	[spmem:s2] =	stream.indirect.scatter.add.f32 [tilespmem:s11], [sflag:$0x1], $0x1, s21, s10, $0xb8;
	[tilespmem:$0x2D80] =	vst v63  }
0xa2: {  	s21 =	sadd.s32 $0x280, s20  }
0xa3: {  	[spmem:s2] =	stream.indirect.scatter.add.f32 [tilespmem:s11], [sflag:$0x1], $0x1, s21, s10, $0xb8;
	[tilespmem:$0x2D80] =	vst v63  }
0xa4: {  	s21 =	sadd.s32 $0x300, s20  }
0xa5: {  	[spmem:s2] =	stream.indirect.scatter.add.f32 [tilespmem:s11], [sflag:$0x1], $0x1, s21, s10, $0xb8;
	[tilespmem:$0x2D80] =	vst v63  }
0xa6: {  	s21 =	sadd.s32 $0x380, s20  }
0xa7: {  	[spmem:s2] =	stream.indirect.scatter.add.f32 [tilespmem:s11], [sflag:$0x1], $0x1, s21, s10, $0xb8;
	[tilespmem:$0x2D80] =	vst v63  }
0xa8: {  	s21 =	sadd.s32 $0x400, s20  }
0xa9: {  	[spmem:s2] =	stream.indirect.scatter.add.f32 [tilespmem:s11], [sflag:$0x1], $0x1, s21, s10, $0xb8;
	[tilespmem:$0x2D80] =	vst v63  }
0xaa: {  	s21 =	sadd.s32 $0x480, s20  }
0xab: {  	[spmem:s2] =	stream.indirect.scatter.add.f32 [tilespmem:s11], [sflag:$0x1], $0x1, s21, s10, $0xb8;
	[tilespmem:$0x2D80] =	vst v63  }
0xac: {  	s21 =	sadd.s32 $0x500, s20  }
0xad: {  	[spmem:s2] =	stream.indirect.scatter.add.f32 [tilespmem:s11], [sflag:$0x1], $0x1, s21, s10, $0xb8;
	[tilespmem:$0x2D80] =	vst v63  }
0xae: {  	s21 =	sadd.s32 $0x580, s20  }
0xaf: {  	[spmem:s2] =	stream.indirect.scatter.add.f32 [tilespmem:s11], [sflag:$0x1], $0x1, s21, s10, $0xb8;
	[tilespmem:$0x2D80] =	vst v63  }
0xb0: {  	s21 =	sadd.s32 $0x600, s20  }
0xb1: {  	[spmem:s2] =	stream.indirect.scatter.add.f32 [tilespmem:s11], [sflag:$0x1], $0x1, s21, s10, $0xb8;
	[tilespmem:$0x2D80] =	vst v63  }
0xb2: {  	s21 =	sadd.s32 $0x680, s20  }
0xb3: {  	[spmem:s2] =	stream.indirect.scatter.add.f32 [tilespmem:s11], [sflag:$0x1], $0x1, s21, s10, $0xb8;
	[tilespmem:$0x2D80] =	vst v63  }
0xb4: {  	s21 =	sadd.s32 $0x700, s20  }
0xb5: {  	[spmem:s2] =	stream.indirect.scatter.add.f32 [tilespmem:s11], [sflag:$0x1], $0x1, s21, s10, $0xb8;
	[tilespmem:$0x2D80] =	vst v63  }
0xb6: {  	s20 =	sadd.s32 $0x780, s20  }
0xb7: {  	[spmem:s2] =	stream.indirect.scatter.add.f32 [tilespmem:s11], [sflag:$0x1], $0x1, s20, s10, $0xb8;
	[tilespmem:$0x2D80] =	vst v63  }
0xb8: {  	_ =	swait.ge [sflag:s12], $0x80  }
0xb9: {  	[sflag:s12] =	ssyncset.done $0x0  }
0xba: {  	[sflag:s12] =	ssyncadd.s32 $0xFFFFFF80  }
0xbb: {  	_ =	swait.ge [sflag:s12], $0x80  }
0xbc: {  	[sflag:s12] =	ssyncset.done $0x0  }
0xbd: {  	[sflag:s12] =	ssyncadd.s32 $0xFFFFFF80  }
0xbe: {  	_ =	swait.ge [sflag:s12], $0x80  }
0xbf: {  	[sflag:s12] =	ssyncset.done $0x0  }
0xc0: {  	[sflag:s12] =	ssyncadd.s32 $0xFFFFFF80  }
0xc1: {  	_ =	swait.ge [sflag:s12], $0x80  }
0xc2: {  	[sflag:s12] =	ssyncset.done $0x0  }
0xc3: {  	[sflag:s12] =	ssyncadd.s32 $0xFFFFFF80  }
0xc4: {  	_ =	swait.ge [sflag:s12], $0x80  }
0xc5: {  	[sflag:s12] =	ssyncset.done $0x0  }
0xc6: {  	[sflag:s12] =	ssyncadd.s32 $0xFFFFFF80  }
0xc7: {  	_ =	swait.ge [sflag:s12], $0x80  }
0xc8: {  	[sflag:s12] =	ssyncset.done $0x0  }
0xc9: {  	[sflag:s12] =	ssyncadd.s32 $0xFFFFFF80  }
0xca: {  	_ =	swait.ge [sflag:s12], $0x80  }
0xcb: {  	[sflag:s12] =	ssyncset.done $0x0  }
0xcc: {  	[sflag:s12] =	ssyncadd.s32 $0xFFFFFF80  }
0xcd: {  	_ =	swait.ge [sflag:s12], $0x80  }
0xce: {  	[sflag:s12] =	ssyncset.done $0x0  }
0xcf: {  	[sflag:s12] =	ssyncadd.s32 $0xFFFFFF80  }
0xd0: {  	_ =	swait.ge [sflag:s12], $0x80  }
0xd1: {  	[sflag:s12] =	ssyncset.done $0x0  }
0xd2: {  	[sflag:s12] =	ssyncadd.s32 $0xFFFFFF80  }
0xd3: {  	_ =	swait.ge [sflag:s12], $0x80  }
0xd4: {  	[sflag:s12] =	ssyncset.done $0x0  }
0xd5: {  	[sflag:s12] =	ssyncadd.s32 $0xFFFFFF80  }
0xd6: {  	_ =	swait.ge [sflag:s12], $0x80  }
0xd7: {  	[sflag:s12] =	ssyncset.done $0x0  }
0xd8: {  	[sflag:s12] =	ssyncadd.s32 $0xFFFFFF80  }
0xd9: {  	_ =	swait.ge [sflag:s12], $0x80  }
0xda: {  	[sflag:s12] =	ssyncset.done $0x0  }
0xdb: {  	[sflag:s12] =	ssyncadd.s32 $0xFFFFFF80  }
0xdc: {  	_ =	swait.ge [sflag:s12], $0x80  }
0xdd: {  	[sflag:s12] =	ssyncset.done $0x0  }
0xde: {  	[sflag:s12] =	ssyncadd.s32 $0xFFFFFF80  }
0xdf: {  	_ =	swait.ge [sflag:s12], $0x80  }
0xe0: {  	[sflag:s12] =	ssyncset.done $0x0  }
0xe1: {  	[sflag:s12] =	ssyncadd.s32 $0xFFFFFF80  }
.Ltmp0:
0xe2: {  	_ =	swait.ge [sflag:s12], $0x80;
	(pc) =	sbr.rel @p0 .LBB2_2-.Ltmp0, $4  }
0xe3: {  	[sflag:s12] =	ssyncset.done $0x0  }
0xe4: {  	[sflag:s12] =	ssyncadd.s32 $0xFFFFFF80  }
0xe5: {  	_ =	swait.ge [sflag:s12], $0x80  }
0xe6: {  	s21 =	smov.u32 s19;
	[sflag:s12] =	ssyncset.done $0x0  }
0xe7: {  	s18 =	sshra.s32 s18, $0x2;
	[sflag:s12] =	ssyncadd.s32 $0xFFFFFF80  }
0xe8: {  	[spmem:s2] =	stream.indirect.scatter.add.f32 [tilespmem:s11], [sflag:$0x1], $0x1, s18, s10, $0xb8;
	[tilespmem:$0x2D80] =	vst v63  }
0xe9: {  	s19 =	sadd.s32 $0x80, s18  }
0xea: {  	[spmem:s2] =	stream.indirect.scatter.add.f32 [tilespmem:s11], [sflag:$0x1], $0x1, s19, s10, $0xb8;
	[tilespmem:$0x2D80] =	vst v63  }
0xeb: {  	s30 =	sadd.s32 $0x100, s18  }
0xec: {  	[spmem:s2] =	stream.indirect.scatter.add.f32 [tilespmem:s11], [sflag:$0x1], $0x1, s30, s10, $0xb8;
	[tilespmem:$0x2D80] =	vst v63  }
0xed: {  	s31 =	sadd.s32 $0x180, s18  }
0xee: {  	[spmem:s2] =	stream.indirect.scatter.add.f32 [tilespmem:s11], [sflag:$0x1], $0x1, s31, s10, $0xb8;
	[tilespmem:$0x2D80] =	vst v63  }
0xef: {  	s20 =	sadd.s32 $0x200, s18  }
0xf0: {  	[spmem:s2] =	stream.indirect.scatter.add.f32 [tilespmem:s11], [sflag:$0x1], $0x1, s20, s10, $0xb8;
	[tilespmem:$0x2D80] =	vst v63  }
0xf1: {  	s21 =	sadd.s32 $0x280, s18  }
0xf2: {  	[spmem:s2] =	stream.indirect.scatter.add.f32 [tilespmem:s11], [sflag:$0x1], $0x1, s21, s10, $0xb8;
	[tilespmem:$0x2D80] =	vst v63  }
0xf3: {  	s22 =	sadd.s32 $0x300, s18  }
0xf4: {  	[spmem:s2] =	stream.indirect.scatter.add.f32 [tilespmem:s11], [sflag:$0x1], $0x1, s22, s10, $0xb8;
	[tilespmem:$0x2D80] =	vst v63  }
0xf5: {  	s23 =	sadd.s32 $0x380, s18  }
0xf6: {  	[spmem:s2] =	stream.indirect.scatter.add.f32 [tilespmem:s11], [sflag:$0x1], $0x1, s23, s10, $0xb8;
	[tilespmem:$0x2D80] =	vst v63  }
0xf7: {  	s24 =	sadd.s32 $0x400, s18  }
0xf8: {  	[spmem:s2] =	stream.indirect.scatter.add.f32 [tilespmem:s11], [sflag:$0x1], $0x1, s24, s10, $0xb8;
	[tilespmem:$0x2D80] =	vst v63  }
0xf9: {  	s25 =	sadd.s32 $0x480, s18  }
0xfa: {  	[spmem:s2] =	stream.indirect.scatter.add.f32 [tilespmem:s11], [sflag:$0x1], $0x1, s25, s10, $0xb8;
	[tilespmem:$0x2D80] =	vst v63  }
0xfb: {  	s26 =	sadd.s32 $0x500, s18  }
0xfc: {  	[spmem:s2] =	stream.indirect.scatter.add.f32 [tilespmem:s11], [sflag:$0x1], $0x1, s26, s10, $0xb8;
	[tilespmem:$0x2D80] =	vst v63  }
0xfd: {  	s28 =	sadd.s32 $0x580, s18  }
0xfe: {  	[spmem:s2] =	stream.indirect.scatter.add.f32 [tilespmem:s11], [sflag:$0x1], $0x1, s28, s10, $0xb8;
	[tilespmem:$0x2D80] =	vst v63  }
0xff: {  	s29 =	sadd.s32 $0x600, s18  }
0x100: {  	[spmem:s2] =	stream.indirect.scatter.add.f32 [tilespmem:s11], [sflag:$0x1], $0x1, s29, s10, $0xb8;
	[tilespmem:$0x2D80] =	vst v63  }
0x101: {  	s30 =	sadd.s32 $0x680, s18  }
0x102: {  	[spmem:s2] =	stream.indirect.scatter.add.f32 [tilespmem:s11], [sflag:$0x1], $0x1, s30, s10, $0xb8;
	[tilespmem:$0x2D80] =	vst v63  }
0x103: {  	s31 =	sadd.s32 $0x700, s18  }
0x104: {  	[spmem:s2] =	stream.indirect.scatter.add.f32 [tilespmem:s11], [sflag:$0x1], $0x1, s31, s10, $0xb8;
	[tilespmem:$0x2D80] =	vst v63  }
0x105: {  	s18 =	sadd.s32 $0x780, s18  }
0x106: {  	[spmem:s2] =	stream.indirect.scatter.add.f32 [tilespmem:s11], [sflag:$0x1], $0x1, s18, s10, $0xb8;
	[tilespmem:$0x2D80] =	vst v63  }
0x107: {  	_ =	swait.ge [sflag:s12], $0x80  }
0x108: {  	[sflag:s12] =	ssyncset.done $0x0  }
0x109: {  	[sflag:s12] =	ssyncadd.s32 $0xFFFFFF80  }
0x10a: {  	_ =	swait.ge [sflag:s12], $0x80  }
0x10b: {  	[sflag:s12] =	ssyncset.done $0x0  }
0x10c: {  	[sflag:s12] =	ssyncadd.s32 $0xFFFFFF80  }
0x10d: {  	_ =	swait.ge [sflag:s12], $0x80  }
0x10e: {  	[sflag:s12] =	ssyncset.done $0x0  }
0x10f: {  	[sflag:s12] =	ssyncadd.s32 $0xFFFFFF80  }
0x110: {  	_ =	swait.ge [sflag:s12], $0x80  }
0x111: {  	[sflag:s12] =	ssyncset.done $0x0  }
0x112: {  	[sflag:s12] =	ssyncadd.s32 $0xFFFFFF80  }
0x113: {  	_ =	swait.ge [sflag:s12], $0x80  }
0x114: {  	[sflag:s12] =	ssyncset.done $0x0  }
0x115: {  	[sflag:s12] =	ssyncadd.s32 $0xFFFFFF80  }
0x116: {  	_ =	swait.ge [sflag:s12], $0x80  }
0x117: {  	[sflag:s12] =	ssyncset.done $0x0  }
0x118: {  	[sflag:s12] =	ssyncadd.s32 $0xFFFFFF80  }
0x119: {  	_ =	swait.ge [sflag:s12], $0x80  }
0x11a: {  	[sflag:s12] =	ssyncset.done $0x0  }
0x11b: {  	[sflag:s12] =	ssyncadd.s32 $0xFFFFFF80  }
0x11c: {  	_ =	swait.ge [sflag:s12], $0x80  }
0x11d: {  	[sflag:s12] =	ssyncset.done $0x0  }
0x11e: {  	[sflag:s12] =	ssyncadd.s32 $0xFFFFFF80  }
0x11f: {  	_ =	swait.ge [sflag:s12], $0x80  }
0x120: {  	[sflag:s12] =	ssyncset.done $0x0  }
0x121: {  	[sflag:s12] =	ssyncadd.s32 $0xFFFFFF80  }
0x122: {  	_ =	swait.ge [sflag:s12], $0x80  }
0x123: {  	[sflag:s12] =	ssyncset.done $0x0  }
0x124: {  	[sflag:s12] =	ssyncadd.s32 $0xFFFFFF80  }
0x125: {  	_ =	swait.ge [sflag:s12], $0x80  }
0x126: {  	[sflag:s12] =	ssyncset.done $0x0  }
0x127: {  	[sflag:s12] =	ssyncadd.s32 $0xFFFFFF80  }
0x128: {  	_ =	swait.ge [sflag:s12], $0x80  }
0x129: {  	[sflag:s12] =	ssyncset.done $0x0  }
0x12a: {  	[sflag:s12] =	ssyncadd.s32 $0xFFFFFF80  }
0x12b: {  	_ =	swait.ge [sflag:s12], $0x80  }
0x12c: {  	[sflag:s12] =	ssyncset.done $0x0  }
0x12d: {  	[sflag:s12] =	ssyncadd.s32 $0xFFFFFF80  }
0x12e: {  	_ =	swait.ge [sflag:s12], $0x80  }
0x12f: {  	[sflag:s12] =	ssyncset.done $0x0  }
0x130: {  	[sflag:s12] =	ssyncadd.s32 $0xFFFFFF80  }
0x131: {  	_ =	swait.ge [sflag:s12], $0x80  }
0x132: {  	[sflag:s12] =	ssyncset.done $0x0  }
0x133: {  	[sflag:s12] =	ssyncadd.s32 $0xFFFFFF80  }
0x134: {  	_ =	swait.ge [sflag:s12], $0x80  }
0x135: {  	s17 =	sadd.s32 $0x1, s17;
	[sflag:s12] =	ssyncset.done $0x0  }
0x136: {  	p0 =	sne.s32 s17, s7;
	[sflag:s12] =	ssyncadd.s32 $0xFFFFFF80  }
.Ltmp1:
0x137: {  	[bflag:$0x0] =	sbarrier.arrive $0xFFFF;
	(pc) =	sbr.rel @p0 .LBB2_1-.Ltmp1, $4  }
0x138: {  	[hbm:s6@s15], [sflag:s13] =	dma.strided [spmem:s14@s16], $0x50, s12, $0x10   }
0x139: {  	_ =	swait.ge [sflag:s9], $0x50  }
0x13a: {  	[sflag:s9] =	ssyncset.done $0x0  }
0x13b: {  	[sflag:s9] =	ssyncadd.s32 $0xFFFFFFB0  }
0x13c: {  	_ =	sfence.sel $0x180000  }
0x13d: {  	[bflag:$0x0] =	sbarrier.arrive $0xFFFF  }
0x13e: {  	p0 =	sne.s32 s1, $0x0;
	_ =	strace $0x90000047  }
0x13f: {  	s0 =	sadd.s32 @!p0 $0x100000, s0;
	[bflag:$0x2] =	sbarrier.arrive $0xFFFF  }
0x140: {  	[sflag:s0] =	ssyncadd.tile.s32 @!p0 $0x1;
	_ =	shalt  }
.Lfunc_end2:
_tile_overlayer_lowered:
.L_overlay_start_2:
0x141: {  	(tag) =	ssettag $0x2  }
0x142: {  	s0 =	rddreg [dreg:$0x0];
	s2 =	stileid.u32  }
0x143: {  	s1 =	rddreg [dreg:$0x1];
	p0 =	sne.s32 s2, $0x0  }
0x144: {  	s3 =	rddreg [dreg:$0x2];
	[bflag:$0x3] =	sbarrier.arrive $0xFFFF;
	s2 =	simm.s32 @!p0 $0x1C02  }
0x145: {  	[timem:s3], [sflag:s2] =	dma.local @!p0 [hbm:s0], s1  }
0x146: {  	s0 =	simm.s32 @!p0 $0x2  }
0x147: {  	_ =	swait.ge @!p0 [sflag:s0], s1  }
0x148: {  	s1 =	ssub.s32 @!p0 $0x0, s1;
	[sflag:s0] =	ssyncset.done @!p0 $0x0  }
0x149: {  	[sflag:s0] =	ssyncadd.s32 @!p0 s1  }
0x14a: {  	[bflag:$0x3] =	sbarrier.arrive $0xFFFF  }
0x14b: {  	_ =	shalt  }

// kernel: kernel.9.cloned.1.call-start
scs
__scs_entry_jumppad:
0x0: {  	(pc) =	sbr.rel $0x88, $3  }
0x1: {  	(tag) =	ssettag $0x0;
	lr =	simm.s32 $0x1  }
0x2: {  	[smem:$0x3F97] =	sst lr;
	_ =	strace $0xD0000000  }
0x3: {  	_ = 	snop  }
0x4: {  	_ = 	snop  }
0x5: {  	_ = 	snop  }
0x6: {  	_ = 	snop  }
0x7: {  	_ = 	snop  }
__scs_overlays_trampoline_lowered:
0x8: {  	[smem:$0x3FA6] =	sst s0  }
0x9: {  	[smem:$0x3FA7] =	sst s1  }
0xa: {  	[smem:$0x3FA8] =	sst s2  }
0xb: {  	[smem:$0x3FA9] =	sst s3  }
0xc: {  	[smem:$0x3FAA] =	sst s4  }
0xd: {  	[smem:$0x3FAB] =	sst s5  }
0xe: {  	[smem:$0x3FAC] =	sst s6  }
0xf: {  	[smem:$0x3FAD] =	sst s7  }
0x10: {  	[smem:$0x3FAE] =	sst s8  }
0x11: {  	[smem:$0x3FAF] =	sst s9;
	s0 =	simm.s32 @!p0 $0x0  }
0x12: {  	s1 =	sld [smem:$0x3F95];
	s0 =	simm.s32 @p0 $0x1  }
0x13: {  	[smem:$0x3FB0] =	sst s0;
	s0 =	simm.s32 @!p1 $0x0  }
0x14: {  	s2 =	sld [smem:$0x3F94];
	s0 =	simm.s32 @p1 $0x1  }
0x15: {  	[smem:$0x3FB1] =	sst s0;
	s0 =	simm.s32 @!p2 $0x0  }
0x16: {  	s3 =	sld [smem:$0x3FDB];
	s0 =	simm.s32 @p2 $0x1  }
0x17: {  	s4 =	simm.s32 $0x1BF5;
	[smem:$0x3FB3] =	sst s0  }
0x18: {  	s0 =	sld [smem:$0x3F96];
	_ =	swait.ge [sflag:s4], $0x0  }
0x19: {  	s7 =	sld [smem:$0x3F97]  }
0x1a: {  	s8 =	sadd.s32 $0xFFFFE003, lr  }
0x1b: {  	s9 =	sadd.s32 $0xFFFFFEF7, lr;
	s5 =	simm.s32 $0xFFFFFFFF;
	p2 =	slt.u32 s8, $0xFFFFF086  }
0x1c: {  	p1 =	slt.u32 s9, $0xF7A;
	s5 =	simm.s32 @!p2 $0x0  }
0x1d: {  	s5 =	simm.s32 @p1 $0x1;
	p0 =	seq.s32 s7, s2  }
0x1e: {  	s7 =	smul.u32 @!p0 $0xF7A, s2;
	p2 =	seq.s32 @!p0 s5, $0x0  }
0x1f: {  	s9 =	smul.u32 $0xF7A, s1;
	s8 =	simm.s32 @!p0 $0x1BF5;
	p2 =	por !p2, p0  }
0x20: {  	[sflag:s8] =	ssyncset.s32 @!p0 $0xFFFFF086;
	s6 =	sadd.s32 @!p0 s3, s7;
	s7 =	simm.s32 @!p0 $0x108  }
0x21: {  	s3 =	sadd.s32 s3, s9;
	s6 =	sadd.s32 @!p0 $0x88, s6;
	s7 =	simm.s32 @p2 $0x1082  }
0x22: {  	[simem:s7], [sflag:s8] =	dma.local @!p0 [hbm:s6], $0xF7A  }
0x23: {  	s9 =	sor.u32 $0xD0000000, s2;
	s6 =	simm.s32 $0x108;
	_ =	swait.ge @!p0 [sflag:s8], $0x0  }
0x24: {  	s3 =	sadd.s32 $0x88, s3;
	s6 =	simm.s32 @!p1 $0x1082;
	[sflag:s4] =	ssyncset.s32 $0xFFFFF086  }
0x25: {  	[simem:s6], [sflag:s4] =	dma.local [hbm:s3], $0xF7A  }
0x26: {  	[smem:$0x3F97] =	sst s1;
	(tag) =	ssettag s2;
	_ =	strace s9  }
0x27: {  	s1 =	sld [smem:$0x3FA7]  }
0x28: {  	s2 =	sld [smem:$0x3FA8]  }
0x29: {  	s4 =	sld [smem:$0x3FAA]  }
0x2a: {  	p0 =	seq.s32 s5, $0x0;
	s5 =	sld [smem:$0x3FAB]  }
0x2b: {  	s6 =	sld [smem:$0x3FAC]  }
0x2c: {  	s7 =	sld [smem:$0x3FAD]  }
0x2d: {  	s3 =	simm.s32 $0x108;
	s8 =	sld [smem:$0x3FAE]  }
0x2e: {  	s3 =	simm.s32 @!p0 $0x1082;
	s9 =	sld [smem:$0x3FAF]  }
0x2f: {  	lr =	sadd.s32 s0, s3;
	s0 =	sld [smem:$0x3FA6]  }
0x30: {  	s3 =	sld [smem:$0x3FA9]  }
0x31: {  	[smem:$0x3FB2] =	sst s10  }
0x32: {  	s10 =	sld [smem:$0x3FB0];
	_ =	sdelay $0x3  }
0x33: {  	p0 =	seq.s32 s10, $0x1;
	s10 =	sld [smem:$0x3FB2];
	_ =	sdelay $0x3  }
0x34: {  	[smem:$0x3FB2] =	sst s10  }
0x35: {  	s10 =	sld [smem:$0x3FB1];
	_ =	sdelay $0x3  }
0x36: {  	p1 =	seq.s32 s10, $0x1;
	s10 =	sld [smem:$0x3FB2];
	_ =	sdelay $0x3  }
0x37: {  	[smem:$0x3FB2] =	sst s10  }
0x38: {  	s10 =	sld [smem:$0x3FB3]  }
0x39: {  	_ = 	snop;
	(pc) =	sbr.ind lr, $3  }
0x3a: {  	_ = 	snop  }
0x3b: {  	_ = 	snop  }
0x3c: {  	p2 =	seq.s32 s10, $0x1;
	s10 =	sld [smem:$0x3FB2]  }
0x3d: {  	_ =	shalt  }
0x3e: {  	_ =	shalt  }
0x3f: {  	_ =	shalt  }
0x40: {  	_ =	shalt  }
0x41: {  	_ =	shalt  }
0x42: {  	_ =	shalt  }
0x43: {  	_ =	shalt  }
0x44: {  	_ =	shalt  }
0x45: {  	_ =	shalt  }
0x46: {  	_ =	shalt  }
0x47: {  	_ =	shalt  }
0x48: {  	_ =	shalt  }
0x49: {  	_ =	shalt  }
0x4a: {  	_ =	shalt  }
0x4b: {  	_ =	shalt  }
0x4c: {  	_ =	shalt  }
0x4d: {  	_ =	shalt  }
0x4e: {  	_ =	shalt  }
0x4f: {  	_ =	shalt  }
0x50: {  	_ =	shalt  }
0x51: {  	_ =	shalt  }
0x52: {  	_ =	shalt  }
0x53: {  	_ =	shalt  }
0x54: {  	_ =	shalt  }
0x55: {  	_ =	shalt  }
0x56: {  	_ =	shalt  }
0x57: {  	_ =	shalt  }
0x58: {  	_ =	shalt  }
0x59: {  	_ =	shalt  }
0x5a: {  	_ =	shalt  }
0x5b: {  	_ =	shalt  }
0x5c: {  	_ =	shalt  }
0x5d: {  	_ =	shalt  }
0x5e: {  	_ =	shalt  }
0x5f: {  	_ =	shalt  }
0x60: {  	_ =	shalt  }
0x61: {  	_ =	shalt  }
0x62: {  	_ =	shalt  }
0x63: {  	_ =	shalt  }
0x64: {  	_ =	shalt  }
0x65: {  	_ =	shalt  }
0x66: {  	_ =	shalt  }
0x67: {  	_ =	shalt  }
0x68: {  	_ =	shalt  }
0x69: {  	_ =	shalt  }
0x6a: {  	_ =	shalt  }
0x6b: {  	_ =	shalt  }
0x6c: {  	_ =	shalt  }
0x6d: {  	_ =	shalt  }
0x6e: {  	_ =	shalt  }
0x6f: {  	_ =	shalt  }
0x70: {  	_ =	shalt  }
0x71: {  	_ =	shalt  }
0x72: {  	_ =	shalt  }
0x73: {  	_ =	shalt  }
0x74: {  	_ =	shalt  }
0x75: {  	_ =	shalt  }
0x76: {  	_ =	shalt  }
0x77: {  	_ =	shalt  }
0x78: {  	_ =	shalt  }
0x79: {  	_ =	shalt  }
0x7a: {  	_ =	shalt  }
0x7b: {  	_ =	shalt  }
0x7c: {  	_ =	shalt  }
0x7d: {  	_ =	shalt  }
0x7e: {  	_ =	shalt  }
0x7f: {  	_ =	shalt  }
0x80: {  	_ =	shalt  }
0x81: {  	_ =	shalt  }
0x82: {  	_ =	shalt  }
0x83: {  	_ =	shalt  }
0x84: {  	_ =	shalt  }
0x85: {  	_ =	shalt  }
0x86: {  	_ =	shalt  }
0x87: {  	_ =	shalt  }
.Lfunc_end0:
.L_simem_size_0:
called_computation.1_lowered:
.L_overlay_start_0:
0x88: {  	s2 =	sld [smem:$0x3FD9]  }
0x89: {  	s3 =	sld [smem:$0x3FFE];
	_ =	sdelay $0x1  }
0x8a: {  	s1 =	srdreg.scid  }
0x8b: {  	s0 =	sand.u32 $0x1, s1  }
0x8c: {  	s16 =	sshll.u32 s0, $0xA;
	s2 =	sadd.s32 s3, s2  }
0x8d: {  	s2 =	sadd.s32 s2, s16  }
0x8e: {  	[smem:$0x3FBE] =	sst s2  }
0x8f: {  	_ = 	snop  }
0x90: {  	(tm) =	ssettm $0x1  }
0x91: {  	s17 =	sld [smem:$0x3FFB];
	_ =	sdelay $0x3  }
0x92: {  	_ =	strace s17  }
0x93: {  	s2 =	sld [smem:$0x3FFC];
	_ =	sdelay $0x3  }
0x94: {  	_ =	strace s2  }
0x95: {  	s2 =	sld [smem:$0x3FFD];
	_ =	sdelay $0x3  }
0x96: {  	_ =	strace s2  }
0x97: {  	_ =	strace $0x8FFFFFFF  }
0x98: {  	s18 =	sld [smem:$0x3FDB];
	_ =	sdelay $0x1  }
0x99: {  	s19 =	simm.s32 $_scs_section_size  }
0x9a: {  	s4 =	simm.s32 $_size__tile_overlayer_lowered;
	s5 =	simm.s32 $_tile_overlayer_lowered  }
0x9b: {  	s22 =	simm.s32 $0x1BFF;
	s21 =	sshll.u32 s5, $0x1;
	s2 =	sadd.s32 s19, s18  }
0x9c: {  	s6 =	simm.s32 $0x0;
	s20 =	sshll.u32 s4, $0x1;
	s4 =	sadd.s32 s21, s2  }
0x9d: {  	[timem:s6], [sflag:s22] =	dma.local [hbm:s4], s20  }
0x9e: {  	_ =	swait.ge [sflag:s22], s20  }
0x9f: {  	s3 =	ssub.s32 $0x0, s20;
	[sflag:s22] =	ssyncset.done $0x0  }
0xa0: {  	[sflag:s22] =	ssyncadd.s32 s3;
	_ =	sdelay $0x1  }
0xa1: {  	s23 =	simm.s32 $0x1B8B  }
0xa2: {  	_ =	swait.ge [sflag:s23], $0x1  }
0xa3: {  	[sflag:s23] =	ssyncset.done $0x0  }
0xa4: {  	s25 =	simm.s32 $0x1B8E;
	s24 =	sld [smem:$0x3FFE];
	[sflag:s23] =	ssyncadd.s32 $0xFFFFFFFF  }
0xa5: {  	s26 =	simm.s32 $execute0_lowered;
	[smem:$0x3FD2] =	sst s25  }
0xa6: {  	s4 =	sshll.u32 s26, $0x1;
	_ =	strace $0x80000049;
	[dreg:$0x1] =	wrdreg $0xFFFFFFFF  }
0xa7: {  	s28 =	simm.s32 $_size_execute0_lowered;
	s2 =	sadd.s32 s2, s4;
	[dreg:$0x0] =	wrdreg $0x0  }
0xa8: {  	s4 =	sshll.u32 s28, $0x1;
	[dreg:$0x2] =	wrdreg s2  }
0xa9: {  	[dreg:$0x3] =	wrdreg s4  }
0xaa: {  	[dreg:$0x4] =	wrdreg $0xC0  }
0xab: {  	_ =	task [dreg:s6], $0x5FFFF  }
0xac: {  	[dreg:$0x1] =	wrdreg $0xFFFFFFFF  }
0xad: {  	[dreg:$0x0] =	wrdreg $0x60  }
0xae: {  	[dreg:$0x2] =	wrdreg s24  }
0xaf: {  	[dreg:$0x3] =	wrdreg $0xBC000  }
0xb0: {  	[dreg:$0x4] =	wrdreg $0x9  }
0xb1: {  	_ =	task.clear_ibuf [dreg:s6], $0x5FFFF;
	_ =	strace $0x90000049  }
0xb2: {  	s29 =	simm.s32 $0x9;
	_ =	strace $0x8000004B  }
0xb3: {  	_ =	swait.ge [sflag:s29], $0x1  }
0xb4: {  	[sflag:s29] =	ssyncadd.s32 $0xFFFFFFFF  }
0xb5: {  	_ =	strace $0x9000004B  }
0xb6: {  	_ =	sfence  }
0xb7: {  	s30 =	sld [smem:$0x0];
	_ =	sdelay $0x2  }
0xb8: {  	s31 =	sshll.u32 s1, $0xD;
	s1 =	sshrl.u32 s1, $0x2  }
0xb9: {  	s3 =	sand.u32 $0x4000, s31;
	s1 =	sadd.s32 s1, s30  }
0xba: {  	s0 =	sor.u32 s3, s0;
	s1 =	sshll.u32 s1, $0x11  }
0xbb: {  	s0 =	sor.u32 s1, s0  }
0xbc: {  	s0 =	sadd.s32 $0x8F2B, s0  }
0xbd: {  	[sflag:s0] =	ssyncadd.remote.s32 $0x1  }
0xbe: {  	_ =	sfence.sel $0xFFFF  }
0xbf: {  	[dreg:$0x0] =	wrdreg $0xFFFFFFFF;
	(pc) =	sbr.abs _section_cstart, $3  }
0xc0: {  	[dreg:$0x1] =	wrdreg $0xFFFFFFFF  }
0xc1: {  	_ =	task.clear_ibuf [dreg:s6], $0x2FFFF;
	_ =	strace $0x9FFFFFFF  }
0xc2: {  	(tm) =	ssettm $0x7FFFFFFF  }
0xc3: {  	_ =	shalt  }
tec
execute0_lowered:
.L_overlay_start_1:
0x0: {  	(tag) =	ssettag $0x1  }
0x1: {  	s1 =	srdreg.scid  }
0x2: {  	s0 =	stileid.u32;
	s6 =	rddreg [dreg:$0x0]  }
0x3: {  	s2 =	rddreg [dreg:$0x1];
	s3 =	simm.s32 $0x0;
	s15 =	simm.s32 $0x3C00  }
0x4: {  	s16 =	simm.s32 $0x3;
	s17 =	simm.s32 $0x2800;
	s18 =	simm.s32 $0x80  }
0x5: {  	s19 =	simm.s32 $0x7C00;
	s20 =	simm.s32 $0x1;
	s21 =	simm.s32 $0x2  }
0x6: {  	s22 =	simm.s32 $0x2780;
	s23 =	simm.s32 $0x3B00;
	s24 =	simm.s32 $0x3B80  }
0x7: {  	s25 =	simm.s32 $0x0;
	s5 =	sand.u32 $0x1, s1;
	s8 =	smul.u32 $0x13C00, s0  }
0x8: {  	s28 =	sshll.u32 s0, $0x1;
	[smem:$0x7FF] =	sst s3;
	s10 =	smul.u32 $0x4F000, s0  }
0x9: {  	s1 =	sor.u32 s5, s28;
	s7 =	smul.u32 $0x13C000, s5;
	_ =	strace $0x8000004A  }
0xa: {  	s29 =	ssub.s32 $0x2, s5;
	s4 =	smul.u32 $0x2800, s1;
	s30 =	sshrl.u32 s10, $0x2  }
0xb: {  	s31 =	sshrl.u32 s29, $0x1;
	s7 =	sadd.s32 s8, s7;
	s5 =	sadd.s32 s30, s2  }
0xc: {  	s14 =	ssub.s32 s29, s31;
	s9 =	sshrl.u32 s4, $0x3;
	s4 =	sadd.s32 $0x16400, s6  }
0xd: {  	s7 =	sshrl.u32 s7, $0x3;
	s8 =	sadd.s32 $0xC000, s5;
	s14 =	smax.u32 s14, $0x1  }
0xe: {  	s12 =	sadd.s32 s9, s6;
	s13 =	sadd.s32 s7, s6;
	s6 =	sadd.s32 $0x4000, s5  }
0xf: {  	s7 =	sadd.s32 $0x8000, s5;
	s9 =	sadd.s32 $0x10000, s5;
	s10 =	sadd.s32 $0xC400, s12  }
0x10: {  	v0 =	vimm.f32 $0.0e+00;
	s11 =	sadd.s32 $0x1A00, s12;
	s12 =	sadd.s32 $0x1C80, s12;
	s13 =	sadd.s32 $0x3DC00, s13  }
.LBB2_1:
0x11: {  	s26 =	sand.u32 $0xFE00, s3  }
0x12: {  	s28 =	sand.u32 $0x70, s3;
	s29 =	sshrl.u32 s26, $0x2  }
0x13: {  	s26 =	simm.s32 $0x40;
	s29 =	sor.u32 s28, s29;
	s28 =	simm.s32 $0x0  }
.LBB2_2:
0x14: {  	p0 =	sne.s32 s26, $0xFFC0  }
0x15: {  	[tilespmem:s29+$0x3C00] =	vst v0;
	s28 =	sadd.s32 $0x10, s28;
	s29 =	smov.u32 s26;
	s26 =	sadd.s32 $0x40, s26  }
.Ltmp0:
0x16: {  	(pc) =	sbr.rel @p0 .LBB2_2-.Ltmp0, $4  }
0x17: {  	_ = 	snop  }
0x18: {  	s29 =	sand.u32 $0xFE00, s29  }
0x19: {  	s30 =	sand.u32 $0x70, s28;
	s29 =	sshrl.u32 s29, $0x2  }
0x1a: {  	s29 =	sor.u32 s30, s29  }
0x1b: {  	[tilespmem:s29+$0x3C00] =	vst v0  }
0x1c: {  	[spmem:s5] =	stream.linear.scatter [tilespmem:s15], [sflag:$0x3], $0x4000, $0x38;
	[tilespmem:$0x1F800] =	vst v63  }
0x1d: {  	_ =	swait.ge [sflag:s16], $0x4000  }
0x1e: {  	[sflag:s16] =	ssyncset.done $0x0  }
0x1f: {  	[sflag:s16] =	ssyncadd.s32 $0xFFFFC000  }
0x20: {  	[spmem:s6] =	stream.linear.scatter [tilespmem:s15], [sflag:$0x3], $0x4000, $0x38;
	[tilespmem:$0x1F800] =	vst v63  }
0x21: {  	_ =	swait.ge [sflag:s16], $0x4000  }
0x22: {  	[sflag:s16] =	ssyncset.done $0x0  }
0x23: {  	[sflag:s16] =	ssyncadd.s32 $0xFFFFC000  }
0x24: {  	[spmem:s7] =	stream.linear.scatter [tilespmem:s15], [sflag:$0x3], $0x4000, $0x38;
	[tilespmem:$0x1F800] =	vst v63  }
0x25: {  	_ =	swait.ge [sflag:s16], $0x4000  }
0x26: {  	[sflag:s16] =	ssyncset.done $0x0  }
0x27: {  	[sflag:s16] =	ssyncadd.s32 $0xFFFFC000  }
0x28: {  	[spmem:s8] =	stream.linear.scatter [tilespmem:s15], [sflag:$0x3], $0x4000, $0x38;
	[tilespmem:$0x1F800] =	vst v63  }
0x29: {  	_ =	swait.ge [sflag:s16], $0x4000  }
0x2a: {  	[sflag:s16] =	ssyncset.done $0x0  }
0x2b: {  	[sflag:s16] =	ssyncadd.s32 $0xFFFFC000  }
0x2c: {  	[spmem:s9] =	stream.linear.scatter [tilespmem:s15], [sflag:$0x3], $0x3C00, $0x38;
	[tilespmem:$0x1F800] =	vst v63  }
0x2d: {  	_ =	swait.ge [sflag:s16], $0x3C00  }
0x2e: {  	[sflag:s16] =	ssyncset.done $0x0  }
0x2f: {  	s26 =	simm.s32 $0x0;
	[sflag:s16] =	ssyncadd.s32 $0xFFFFC400  }
0x30: {  	[tilespmem:s26], [sflag:$0x3] =	stream.linear.gather [hbm4b:s10+s26], $0x2800, $0x38;
	[tilespmem:$0x1F800] =	vst v63  }
0x31: {  	_ =	swait.ge [sflag:s16], $0x2800  }
0x32: {  	[sflag:s16] =	ssyncset.done $0x0  }
0x33: {  	[sflag:s16] =	ssyncadd.s32 $0xFFFFD800  }
0x34: {  	[tilespmem:s17], [sflag:$0x3] =	stream.linear.gather [hbm4b:s11+s26], $0x1400, $0x38;
	[tilespmem:$0x1F800] =	vst v63  }
0x35: {  	_ =	swait.ge [sflag:s16], $0x1400  }
0x36: {  	[sflag:s16] =	ssyncset.done $0x0  }
0x37: {  	[sflag:s16] =	ssyncadd.s32 $0xFFFFEC00  }
0x38: {  	p0 =	por $0x1, $0x1;
	[bflag:$0x0] =	sbarrier.arrive $0xFFFF  }
0x39: {  	[tilespmem:s15], [sflag:$0x1] =	stream.indirect.gather [hbm4b:s4+s18], $0x80, s26, s18, $0xb8;
	[tilespmem:$0x1F800] =	vst v63  }
0x3a: {  	s28 =	simm.s32 @!p0 $0x0;
	s29 =	simm.s32 @!p0 $0x2800;
	s30 =	simm.s32 @!p0 $0x3  }
0x3b: {  	[tilespmem:s29], [sflag:$0x3] =	stream.linear.gather @!p0 [hbm4b:s12+s28], $0x1400, $0x38;
	[tilespmem:$0x1F800] =	vst v63  }
0x3c: {  	_ =	swait.ge @!p0 [sflag:s30], $0x1400  }
0x3d: {  	s28 =	simm.s32 $0xFFFFB000;
	[sflag:s30] =	ssyncset.done @!p0 $0x0  }
0x3e: {  	s29 =	simm.s32 $0x80;
	[sflag:s30] =	ssyncadd.s32 @!p0 $0xFFFFEC00;
	p0 =	por $0x1, $0x1  }
0x3f: {  	[tilespmem:s19], [sflag:$0x2] =	stream.indirect.gather [hbm4b:s4+s18], $0x80, s29, s18, $0xb8;
	[tilespmem:$0x1F800] =	vst v63  }
0x40: {  	s28 =	smov.u32 @p0 s26;
	_ =	swait.ge [sflag:s20], $0x4000  }
0x41: {  	s26 =	sshra.s32 s28, $0x2;
	[sflag:s20] =	ssyncset.done $0x0  }
0x42: {  	s28 =	sadd.s32 $0x2800, s26;
	[sflag:s20] =	ssyncadd.s32 $0xFFFFC000  }
0x43: {  	[spmem:s2] =	stream.indirect.scatter.add.f32 [tilespmem:s15], [sflag:$0x3], $0x80, s28, s18, $0xb8;
	[tilespmem:$0x1F800] =	vst v63  }
0x44: {  	_ =	swait.ge [sflag:s16], $0x4000  }
0x45: {  	[sflag:s16] =	ssyncset.done $0x0  }
0x46: {  	s28 =	simm.s32 $0x100;
	[sflag:s16] =	ssyncadd.s32 $0xFFFFC000  }
0x47: {  	[tilespmem:s15], [sflag:$0x1] =	stream.indirect.gather [hbm4b:s4+s18], $0x80, s28, s18, $0xb8;
	[tilespmem:$0x1F800] =	vst v63  }
0x48: {  	_ =	swait.ge [sflag:s21], $0x4000  }
0x49: {  	p1 =	por $0x1, $0x1;
	[sflag:s21] =	ssyncset.done $0x0  }
0x4a: {  	s29 =	simm.s32 $0x800;
	s26 =	sadd.s32 $0x2880, s26;
	[sflag:s21] =	ssyncadd.s32 $0xFFFFC000  }
0x4b: {  	[spmem:s2] =	stream.indirect.scatter.add.f32 [tilespmem:s19], [sflag:$0x3], $0x80, s26, s18, $0xb8;
	[tilespmem:$0x1F800] =	vst v63  }
0x4c: {  	s28 =	simm.s32 $0x1;
	s26 =	simm.s32 $0x400;
	_ =	swait.ge [sflag:s16], $0x4000  }
.LBB2_4:
0x4d: {  	s30 =	simm.s32 @!p1 $0x0  }
0x4e: {  	s31 =	simm.s32 @!p1 $0x2800;
	[sflag:s16] =	ssyncset.done $0x0;
	s1 =	smov.u32 s29  }
0x4f: {  	s29 =	sadd.s32 $0x400, s29;
	s0 =	simm.s32 @!p1 $0x3;
	[sflag:s16] =	ssyncadd.s32 $0xFFFFC000  }
0x50: {  	[tilespmem:s31], [sflag:$0x3] =	stream.linear.gather @!p1 [hbm4b:s12+s30], $0x1400, $0x38;
	[tilespmem:$0x1F800] =	vst v63  }
0x51: {  	p0 =	sne.s32 s29, $0x9C00;
	_ =	swait.ge @!p1 [sflag:s0], $0x1400  }
0x52: {  	s30 =	sshra.s32 s26, $0x2;
	s31 =	sadd.s32 $0xFFFFB000, s26;
	[sflag:s0] =	ssyncset.done @!p1 $0x0  }
0x53: {  	[sflag:s0] =	ssyncadd.s32 @!p1 $0xFFFFEC00;
	p1 =	slt.u32 s28, $0x14;
	s0 =	sadd.s32 $0x80, s30  }
0x54: {  	[tilespmem:s19], [sflag:$0x2] =	stream.indirect.gather [hbm4b:s4+s18], $0x80, s0, s18, $0xb8;
	[tilespmem:$0x1F800] =	vst v63  }
0x55: {  	s31 =	smov.u32 @p1 s26;
	s26 =	smov.u32 s1;
	_ =	swait.ge [sflag:s20], $0x4000  }
0x56: {  	s0 =	sshra.s32 s31, $0x2;
	[sflag:s20] =	ssyncset.done $0x0  }
0x57: {  	s1 =	sadd.s32 $0x2800, s0;
	[sflag:s20] =	ssyncadd.s32 $0xFFFFC000  }
0x58: {  	[spmem:s2] =	stream.indirect.scatter.add.f32 [tilespmem:s15], [sflag:$0x3], $0x80, s1, s18, $0xb8;
	[tilespmem:$0x1F800] =	vst v63  }
0x59: {  	_ =	swait.ge [sflag:s16], $0x4000  }
0x5a: {  	[sflag:s16] =	ssyncset.done $0x0  }
0x5b: {  	s1 =	sadd.s32 $0x100, s30;
	[sflag:s16] =	ssyncadd.s32 $0xFFFFC000  }
0x5c: {  	[tilespmem:s15], [sflag:$0x1] =	stream.indirect.gather [hbm4b:s4+s18], $0x80, s1, s18, $0xb8;
	[tilespmem:$0x1F800] =	vst v63  }
.Ltmp1:
0x5d: {  	_ =	swait.ge [sflag:s21], $0x4000;
	(pc) =	sbr.rel @p0 .LBB2_4-.Ltmp1, $4  }
0x5e: {  	[sflag:s21] =	ssyncset.done $0x0  }
0x5f: {  	s0 =	sadd.s32 $0x2880, s0;
	[sflag:s21] =	ssyncadd.s32 $0xFFFFC000  }
0x60: {  	[spmem:s2] =	stream.indirect.scatter.add.f32 [tilespmem:s19], [sflag:$0x3], $0x80, s0, s18, $0xb8;
	[tilespmem:$0x1F800] =	vst v63  }
0x61: {  	s28 =	sadd.s32 $0x1, s28;
	p1 =	sne.s32 s26, $0x5000;
	_ =	swait.ge [sflag:s16], $0x4000  }
0x62: {  	s0 =	simm.s32 @!p1 $0x0;
	[sflag:s16] =	ssyncset.done $0x0  }
0x63: {  	s1 =	simm.s32 @!p1 $0x2800;
	s29 =	simm.s32 @!p1 $0x3;
	[sflag:s16] =	ssyncadd.s32 $0xFFFFC000  }
0x64: {  	[tilespmem:s1], [sflag:$0x3] =	stream.linear.gather @!p1 [hbm4b:s12+s0], $0x1400, $0x38;
	[tilespmem:$0x1F800] =	vst v63  }
0x65: {  	_ =	swait.ge @!p1 [sflag:s29], $0x1400  }
0x66: {  	s30 =	sshra.s32 s26, $0x2;
	p0 =	slt.u32 s28, $0x14;
	[sflag:s29] =	ssyncset.done @!p1 $0x0  }
0x67: {  	s31 =	sadd.s32 $0x80, s30;
	s1 =	sadd.s32 $0xFFFFB000, s26;
	[sflag:s29] =	ssyncadd.s32 @!p1 $0xFFFFEC00  }
0x68: {  	[tilespmem:s19], [sflag:$0x2] =	stream.indirect.gather [hbm4b:s4+s18], $0x80, s31, s18, $0xb8;
	[tilespmem:$0x1F800] =	vst v63  }
0x69: {  	s1 =	smov.u32 @p0 s26;
	_ =	swait.ge [sflag:s20], $0x4000  }
0x6a: {  	s1 =	sshra.s32 s1, $0x2;
	[sflag:s20] =	ssyncset.done $0x0  }
0x6b: {  	s28 =	sadd.s32 $0x2800, s1;
	[sflag:s20] =	ssyncadd.s32 $0xFFFFC000  }
0x6c: {  	[spmem:s2] =	stream.indirect.scatter.add.f32 [tilespmem:s15], [sflag:$0x3], $0x80, s28, s18, $0xb8;
	[tilespmem:$0x1F800] =	vst v63  }
0x6d: {  	_ =	swait.ge [sflag:s16], $0x4000  }
0x6e: {  	[sflag:s16] =	ssyncset.done $0x0  }
0x6f: {  	s0 =	sadd.s32 $0x100, s30;
	[sflag:s16] =	ssyncadd.s32 $0xFFFFC000  }
0x70: {  	[tilespmem:s15], [sflag:$0x1] =	stream.indirect.gather [hbm4b:s4+s18], $0x80, s0, s18, $0xb8;
	[tilespmem:$0x1F800] =	vst v63  }
0x71: {  	_ =	swait.ge [sflag:s21], $0x4000  }
0x72: {  	[sflag:s21] =	ssyncset.done $0x0  }
0x73: {  	s29 =	sadd.s32 $0x2880, s1;
	[sflag:s21] =	ssyncadd.s32 $0xFFFFC000  }
0x74: {  	[spmem:s2] =	stream.indirect.scatter.add.f32 [tilespmem:s19], [sflag:$0x3], $0x80, s29, s18, $0xb8;
	[tilespmem:$0x1F800] =	vst v63  }
0x75: {  	_ =	swait.ge [sflag:s16], $0x4000  }
0x76: {  	[sflag:s16] =	ssyncset.done $0x0  }
0x77: {  	[sflag:s16] =	ssyncadd.s32 $0xFFFFC000  }
0x78: {  	[tilespmem:s19], [sflag:$0x2] =	stream.indirect.gather [hbm4b:s4+s18], $0x80, s22, s18, $0xb8;
	[tilespmem:$0x1F800] =	vst v63  }
0x79: {  	_ =	swait.ge [sflag:s20], $0x4000  }
0x7a: {  	[sflag:s20] =	ssyncset.done $0x0  }
0x7b: {  	[sflag:s20] =	ssyncadd.s32 $0xFFFFC000  }
0x7c: {  	[spmem:s2] =	stream.indirect.scatter.add.f32 [tilespmem:s15], [sflag:$0x3], $0x80, s23, s18, $0xb8;
	[tilespmem:$0x1F800] =	vst v63  }
0x7d: {  	_ =	swait.ge [sflag:s16], $0x4000  }
0x7e: {  	[sflag:s16] =	ssyncset.done $0x0  }
0x7f: {  	[sflag:s16] =	ssyncadd.s32 $0xFFFFC000  }
0x80: {  	_ =	swait.ge [sflag:s21], $0x4000  }
0x81: {  	[sflag:s21] =	ssyncset.done $0x0  }
0x82: {  	[sflag:s21] =	ssyncadd.s32 $0xFFFFC000  }
0x83: {  	[spmem:s2] =	stream.indirect.scatter.add.f32 [tilespmem:s19], [sflag:$0x3], $0x80, s24, s18, $0xb8;
	[tilespmem:$0x1F800] =	vst v63  }
0x84: {  	s25 =	sadd.s32 $0x1, s25;
	_ =	swait.ge [sflag:s16], $0x4000  }
0x85: {  	s30 =	stileid.u32;
	p0 =	sne.s32 s25, s14;
	[sflag:s16] =	ssyncset.done $0x0  }
0x86: {  	s31 =	sshrl.u32 s5, $0x3;
	s0 =	sshll.u32 s30, $0x6;
	[sflag:s16] =	ssyncadd.s32 $0xFFFFC000  }
.Ltmp2:
0x87: {  	s0 =	sor.u32 $0x1C03, s0;
	[bflag:$0x0] =	sbarrier.arrive $0xFFFF;
	(pc) =	sbr.rel @p0 .LBB2_1-.Ltmp2, $4  }
0x88: {  	[hbm:s13], [sflag:s0] =	dma.local [spmem:s31], $0x2780  }
0x89: {  	_ =	swait.ge [sflag:s16], $0x2780  }
0x8a: {  	[sflag:s16] =	ssyncset.done $0x0  }
0x8b: {  	[sflag:s16] =	ssyncadd.s32 $0xFFFFD880  }
0x8c: {  	_ =	sfence.sel $0x180000  }
0x8d: {  	[bflag:$0x0] =	sbarrier.arrive $0xFFFF  }
0x8e: {  	_ =	strace $0x9000004A  }
0x8f: {  	s0 =	stileid.u32;
	[bflag:$0x2] =	sbarrier.arrive $0xFFFF  }
0x90: {  	p0 =	sne.s32 s0, $0x0;
	s0 =	rddreg [dreg:$0x2]  }
0x91: {  	s0 =	sadd.s32 @!p0 $0x100000, s0  }
0x92: {  	[sflag:s0] =	ssyncadd.tile.s32 @!p0 $0x1;
	_ =	shalt  }
.Lfunc_end2:
_tile_overlayer_lowered:
.L_overlay_start_2:
0x93: {  	(tag) =	ssettag $0x2  }
0x94: {  	s0 =	rddreg [dreg:$0x0];
	s2 =	stileid.u32  }
0x95: {  	s1 =	rddreg [dreg:$0x1];
	p0 =	sne.s32 s2, $0x0  }
0x96: {  	s3 =	rddreg [dreg:$0x2];
	[bflag:$0x3] =	sbarrier.arrive $0xFFFF;
	s2 =	simm.s32 @!p0 $0x1C03  }
0x97: {  	[timem:s3], [sflag:s2] =	dma.local @!p0 [hbm:s0], s1  }
0x98: {  	s0 =	simm.s32 @!p0 $0x3  }
0x99: {  	_ =	swait.ge @!p0 [sflag:s0], s1  }
0x9a: {  	s1 =	ssub.s32 @!p0 $0x0, s1;
	[sflag:s0] =	ssyncset.done @!p0 $0x0  }
0x9b: {  	[sflag:s0] =	ssyncadd.s32 @!p0 s1  }
0x9c: {  	[bflag:$0x3] =	sbarrier.arrive $0xFFFF  }
0x9d: {  	_ =	shalt  }

</sc_bundles>
